<compile_context>
chip_gen: v7x
topology: tpu7x:2x2x1
jax: 0.10.2.dev20260603
libtpu: 0.0.44.dev20260713+nightly
codegen_flags: <defaults>
</compile_context>

<pallas_src>
import functools

import jax
import jax.numpy as jnp
from jax import lax
from jax.experimental import pallas as pl
from jax.experimental.pallas import tpu as pltpu
from jax.experimental.pallas import tpu_sc as plsc

_N_SKELS = 100000
_N_TRAIN = 80000
_N_TOKENS = 8
_CODE_DIM = 64
_BATCH = 16384
_HALF = _BATCH // 2

_NC = 2
_NS = 16
_NW = _NC * _NS
_N_PLANES = _N_TOKENS * _CODE_DIM
_P_PER_W = _N_PLANES // _NW
_LANES = 16


def _make_kernel():
    mesh = plsc.VectorSubcoreMesh(core_axis_name="c", subcore_axis_name="s")

    @functools.partial(
        pl.kernel,
        out_type=jax.ShapeDtypeStruct((_N_TOKENS, _CODE_DIM, _BATCH),
                                      jnp.float32),
        mesh=mesh,
        compiler_params=pltpu.CompilerParams(needs_layout_passes=False),
        scratch_types=[
            pltpu.VMEM((_N_SKELS,), jnp.float32),
            pltpu.VMEM((_HALF,), jnp.int32),
            pltpu.VMEM((_BATCH,), jnp.float32),
            pltpu.SemaphoreType.DMA,
            pltpu.SemaphoreType.DMA,
        ],
    )
    def k(idx_hbm, zm_hbm, off_hbm, out_hbm, plane_v, ids_v, out_v, sem,
          sem_out):
        wid = lax.axis_index("s") * _NC + lax.axis_index("c")
        pltpu.sync_copy(idx_hbm.at[pl.ds(0, _HALF)], ids_v)

        def plane_body(p, carry):
            pid = wid * _P_PER_W + p
            t = pid // _CODE_DIM
            c = pid % _CODE_DIM

            pltpu.sync_copy(zm_hbm.at[t, c], plane_v)
            @pl.when(p > 0)
            def _drain():
                tp = (pid - 1) // _CODE_DIM
                cp_ = (pid - 1) % _CODE_DIM
                pltpu.make_async_copy(out_v, out_hbm.at[tp, cp_],
                                      sem_out).wait()

            def zm_pass(h):
                @plsc.parallel_loop(0, _HALF, step=_LANES, unroll=16)
                def _(i):
                    ids16 = ids_v[pl.ds(i, _LANES)]
                    vals = plsc.load_gather(plane_v, [ids16])
                    out_v[pl.ds(h * _HALF + i, _LANES)] = vals

            zm_pass(0)
            pltpu.sync_copy(idx_hbm.at[pl.ds(_HALF, _HALF)], ids_v)
            zm_pass(1)

            pltpu.sync_copy(off_hbm.at[t, c], plane_v)

            def off_pass(h):
                @plsc.parallel_loop(0, _HALF, step=_LANES, unroll=16)
                def _(i):
                    ids16 = ids_v[pl.ds(i, _LANES)]
                    vals = plsc.load_gather(plane_v, [ids16])
                    mvec = jnp.where(ids16 < _N_TRAIN, jnp.float32(1.0),
                                     jnp.float32(0.0))
                    osl = pl.ds(h * _HALF + i, _LANES)
                    out_v[osl] = out_v[osl] + vals * mvec

            off_pass(1)
            pltpu.sync_copy(idx_hbm.at[pl.ds(0, _HALF)], ids_v)
            off_pass(0)

            pltpu.async_copy(out_v, out_hbm.at[t, c], sem_out)
            return carry

        lax.fori_loop(0, _P_PER_W, plane_body, 0, unroll=False)
        last = wid * _P_PER_W + _P_PER_W - 1
        pltpu.make_async_copy(
            out_v, out_hbm.at[last // _CODE_DIM, last % _CODE_DIM],
            sem_out).wait()

    return k


_kernel_call = _make_kernel()


@jax.jit
def kernel(tgt_skel_id, z_means, offset):
    zm_t = jnp.transpose(z_means, (1, 2, 0))
    off_t = jnp.transpose(offset, (1, 2, 0))
    out_t = _kernel_call(tgt_skel_id, zm_t, off_t)
    return jnp.transpose(out_t, (2, 0, 1))

# --- scband reference (transcript-rebuilt; emitter-appended) ---
"""Pipeline reference for scband-acestart-tokens-60112362275011 (READ-ONLY COPY).

The authoritative reference and input builder live on the scoring server;
editing this copy changes nothing except your own understanding.
"""

import jax, jax.numpy as jnp
import numpy as np

N_SKELS = 100000
N_TRAIN_SKELS = 80000
N_TOKENS = 8
CODE_DIM = 64
BATCH = 16384


def setup_inputs(seed: int = 0) -> dict:
    key = jax.random.key(seed)
    k1, k2, k3 = jax.random.split(key, 3)
    tgt_skel_id = jax.random.randint(k1, (BATCH,), 0, N_SKELS, dtype=jnp.int32)
    # buffer: pre-computed per-skel mean of real z_tgt
    z_means = jax.random.normal(k2, (N_SKELS, N_TOKENS, CODE_DIM), dtype=jnp.float32)
    # learned parameter (initialized zeros in the module; use small noise so output is nontrivial)
    offset = jax.random.normal(k3, (N_SKELS, N_TOKENS, CODE_DIM), dtype=jnp.float32) * 0.01
    return {"tgt_skel_id": tgt_skel_id, "z_means": z_means, "offset": offset}


def reference(tgt_skel_id, z_means, offset):
    # mean = self.z_means[tgt_skel_id]
    mean = jnp.take(z_means, tgt_skel_id, axis=0)
    # offset = self.offset[tgt_skel_id]
    off = jnp.take(offset, tgt_skel_id, axis=0)
    # held_out mask: skels with id >= n_train_skels get zero offset
    held_out = (tgt_skel_id >= N_TRAIN_SKELS)[:, None, None]
    off = jnp.where(held_out, jnp.zeros_like(off), off)
    return mean + off

if __name__ == "__main__":
    import jax
    _d = setup_inputs()
    print(jax.jit(kernel)(*tuple(_d.values())))

</pallas_src>

<mosaic_0001>
#map = affine_map<(d0, d1) -> (0)>
#map1 = affine_map<(d0, d1) -> (0, 0, 0)>
module attributes {stable_mosaic.version = 14 : i64} {
  func.func @k(%arg0: i32, %arg1: i32, %arg2: memref<16384xi32, #tpu.memory_space<hbm>>, %arg3: memref<8x64x100000xf32, #tpu.memory_space<hbm>>, %arg4: memref<8x64x100000xf32, #tpu.memory_space<hbm>>, %arg5: memref<8x64x16384xf32, #tpu.memory_space<hbm>>, %arg6: memref<100000xf32, #tpu.memory_space<vmem>>, %arg7: memref<8192xi32, #tpu.memory_space<vmem>>, %arg8: memref<16384xf32, #tpu.memory_space<vmem>>, %arg9: memref<!tpu.dma_semaphore, #tpu.memory_space<semaphore_mem>>, %arg10: memref<!tpu.dma_semaphore, #tpu.memory_space<semaphore_mem>>) attributes {dimension_semantics = [#tpu.dimension_semantics<core_parallel>, #tpu.dimension_semantics<subcore_parallel>], iteration_bounds = array<i64: 2, 16>, scalar_prefetch = 0 : i64, scratch_operands = 5 : i64, tpu.core_type = #tpu.core_type<sc_vector_subcore>, window_params = [{transform_indices = #map}, {transform_indices = #map1}, {transform_indices = #map1}, {transform_indices = #map1}]} {
    %mul3A = arith.constant 2 : i32
    %mul3A_0 = arith.muli %arg1, %mul3A : i32
    %add3A = arith.addi %mul3A_0, %arg0 : i32
    "tpu.region"() ({
      %run_scoped3A = tpu.sem_alloc : memref<!tpu.dma_semaphore, #tpu.memory_space<semaphore_mem>>
      %dma_start3A = arith.constant 0 : i32
      %dma_start3A_47 = tpu.memref_slice %arg2[%dma_start3A] : memref<16384xi32, #tpu.memory_space<hbm>> -> memref<8192xi32, #tpu.memory_space<hbm>>
      %dma_start3A_48 = arith.constant 0 : i32
      %dma_start3A_49 = tpu.memref_slice %arg2[%dma_start3A_48] : memref<16384xi32, #tpu.memory_space<hbm>> -> memref<8192xi32, #tpu.memory_space<hbm>>
      tpu.enqueue_dma source(%dma_start3A_49 : memref<8192xi32, #tpu.memory_space<hbm>>) target(%arg7 : memref<8192xi32, #tpu.memory_space<vmem>>) target_semaphore(%run_scoped3A : memref<!tpu.dma_semaphore, #tpu.memory_space<semaphore_mem>>)
      %dma_wait3A_50 = arith.constant 0 : i32
      %dma_wait3A_51 = tpu.memref_slice %arg2[%dma_wait3A_50] : memref<16384xi32, #tpu.memory_space<hbm>> -> memref<8192xi32, #tpu.memory_space<hbm>>
      %dma_wait3A_52 = arith.constant 0 : i32
      %dma_wait3A_53 = tpu.memref_slice %arg2[%dma_wait3A_52] : memref<16384xi32, #tpu.memory_space<hbm>> -> memref<8192xi32, #tpu.memory_space<hbm>>
      tpu.wait_dma2 semaphore(%run_scoped3A : memref<!tpu.dma_semaphore, #tpu.memory_space<semaphore_mem>>) src(%dma_wait3A_53 : memref<8192xi32, #tpu.memory_space<hbm>>) dst(%arg7 : memref<8192xi32, #tpu.memory_space<vmem>>)
      tpu.yield
    }) : () -> ()
    %scan3A = arith.constant 0 : i32
    %scan3A_1 = arith.constant 0 : i32
    %scan3A_2 = arith.constant 16 : i32
    %scan3A_3 = arith.addi %scan3A_1, %scan3A_2 : i32
    %scan3A_4 = arith.constant 1 : i32
    scf.for %scan3A_47 = %scan3A_1 to %scan3A_3 step %scan3A_4  : i32 {
      %mul3A_48 = arith.constant 16 : i32
      %mul3A_49 = arith.muli %add3A, %mul3A_48 : i32
      %add3A_50 = arith.addi %mul3A_49, %scan3A_47 : i32
      %jit3A_51 = arith.constant 64 : i32
      %div3A_52 = arith.divsi %add3A_50, %jit3A_51 : i32
      %sign3A_53 = arith.constant 0 : i32
      %sign3A_54 = arith.cmpi sgt, %add3A_50, %sign3A_53 : i32
      %sign3A_55 = arith.extui %sign3A_54 : i1 to i32
      %sign3A_56 = arith.constant 0 : i32
      %sign3A_57 = arith.cmpi slt, %add3A_50, %sign3A_56 : i32
      %sign3A_58 = arith.extui %sign3A_57 : i1 to i32
      %sign3A_59 = arith.subi %sign3A_55, %sign3A_58 : i32
      %sign3A_60 = arith.constant 0 : i32
      %sign3A_61 = arith.cmpi sgt, %jit3A_51, %sign3A_60 : i32
      %sign3A_62 = arith.extui %sign3A_61 : i1 to i32
      %sign3A_63 = arith.constant 0 : i32
      %sign3A_64 = arith.cmpi slt, %jit3A_51, %sign3A_63 : i32
      %sign3A_65 = arith.extui %sign3A_64 : i1 to i32
      %sign3A_66 = arith.subi %sign3A_62, %sign3A_65 : i32
      %ne3A_67 = arith.cmpi ne, %sign3A_59, %sign3A_66 : i32
      %rem3A_68 = arith.remsi %add3A_50, %jit3A_51 : i32
      %ne3A_69 = arith.constant 0 : i32
      %ne3A_70 = arith.cmpi ne, %rem3A_68, %ne3A_69 : i32
      %and3A_71 = arith.andi %ne3A_67, %ne3A_70 : i1
      %sub3A_72 = arith.constant 1 : i32
      %sub3A_73 = arith.subi %div3A_52, %sub3A_72 : i32
      %select_n3A_74 = arith.select %and3A_71, %sub3A_73, %div3A_52 : i32
      %jit3A_75 = arith.constant 64 : i32
      %eq3A_76 = arith.constant 0 : i32
      %eq3A_77 = arith.cmpi eq, %jit3A_75, %eq3A_76 : i32
      %jit3A_78 = arith.constant 1 : i32
      %select_n3A_79 = arith.select %eq3A_77, %jit3A_78, %jit3A_75 : i32
      %rem3A_80 = arith.remsi %add3A_50, %select_n3A_79 : i32
      %ne3A_81 = arith.constant 0 : i32
      %ne3A_82 = arith.cmpi ne, %rem3A_80, %ne3A_81 : i32
      %lt3A_83 = arith.constant 0 : i32
      %lt3A_84 = arith.cmpi slt, %rem3A_80, %lt3A_83 : i32
      %lt3A_85 = arith.constant 0 : i32
      %lt3A_86 = arith.cmpi slt, %select_n3A_79, %lt3A_85 : i32
      %ne3A_87 = arith.xori %lt3A_84, %lt3A_86 : i1
      %and3A_88 = arith.andi %ne3A_87, %ne3A_82 : i1
      %add3A_89 = arith.addi %rem3A_80, %select_n3A_79 : i32
      %select_n3A_90 = arith.select %and3A_88, %add3A_89, %rem3A_80 : i32
      "tpu.region"() ({
        %run_scoped3A = tpu.sem_alloc : memref<!tpu.dma_semaphore, #tpu.memory_space<semaphore_mem>>
        %dma_start3A_109 = arith.constant 0 : i32
        %dma_start3A_110 = tpu.memref_slice %arg3[%select_n3A_74, %select_n3A_90, %dma_start3A_109] : memref<8x64x100000xf32, #tpu.memory_space<hbm>> -> memref<1x1x100000xf32, #tpu.memory_space<hbm>>
        %dma_start3A_111 = tpu.memref_squeeze %dma_start3A_110 : memref<1x1x100000xf32, #tpu.memory_space<hbm>> -> memref<100000xf32, #tpu.memory_space<hbm>>
        %dma_start3A_112 = arith.constant 0 : i32
        %dma_start3A_113 = tpu.memref_slice %arg3[%select_n3A_74, %select_n3A_90, %dma_start3A_112] : memref<8x64x100000xf32, #tpu.memory_space<hbm>> -> memref<1x1x100000xf32, #tpu.memory_space<hbm>>
        %dma_start3A_114 = tpu.memref_squeeze %dma_start3A_113 : memref<1x1x100000xf32, #tpu.memory_space<hbm>> -> memref<100000xf32, #tpu.memory_space<hbm>>
        tpu.enqueue_dma source(%dma_start3A_114 : memref<100000xf32, #tpu.memory_space<hbm>>) target(%arg6 : memref<100000xf32, #tpu.memory_space<vmem>>) target_semaphore(%run_scoped3A : memref<!tpu.dma_semaphore, #tpu.memory_space<semaphore_mem>>)
        %dma_wait3A_115 = arith.constant 0 : i32
        %dma_wait3A_116 = tpu.memref_slice %arg3[%select_n3A_74, %select_n3A_90, %dma_wait3A_115] : memref<8x64x100000xf32, #tpu.memory_space<hbm>> -> memref<1x1x100000xf32, #tpu.memory_space<hbm>>
        %dma_wait3A_117 = tpu.memref_squeeze %dma_wait3A_116 : memref<1x1x100000xf32, #tpu.memory_space<hbm>> -> memref<100000xf32, #tpu.memory_space<hbm>>
        %dma_wait3A_118 = arith.constant 0 : i32
        %dma_wait3A_119 = tpu.memref_slice %arg3[%select_n3A_74, %select_n3A_90, %dma_wait3A_118] : memref<8x64x100000xf32, #tpu.memory_space<hbm>> -> memref<1x1x100000xf32, #tpu.memory_space<hbm>>
        %dma_wait3A_120 = tpu.memref_squeeze %dma_wait3A_119 : memref<1x1x100000xf32, #tpu.memory_space<hbm>> -> memref<100000xf32, #tpu.memory_space<hbm>>
        tpu.wait_dma2 semaphore(%run_scoped3A : memref<!tpu.dma_semaphore, #tpu.memory_space<semaphore_mem>>) src(%dma_wait3A_120 : memref<100000xf32, #tpu.memory_space<hbm>>) dst(%arg6 : memref<100000xf32, #tpu.memory_space<vmem>>)
        tpu.yield
      }) : () -> ()
      %gt3A = arith.constant 0 : i32
      %gt3A_91 = arith.cmpi sgt, %scan3A_47, %gt3A : i32
      %convert_element_type3A = arith.extui %gt3A_91 : i1 to i32
      %cond3A = arith.constant 0 : i32
      %cond3A_92 = arith.cmpi ne, %convert_element_type3A, %cond3A : i32
      scf.if %cond3A_92 {
        %sub3A_109 = arith.constant 1 : i32
        %sub3A_110 = arith.subi %add3A_50, %sub3A_109 : i32
        %jit3A_111 = arith.constant 64 : i32
        %div3A_112 = arith.divsi %sub3A_110, %jit3A_111 : i32
        %sign3A_113 = arith.constant 0 : i32
        %sign3A_114 = arith.cmpi sgt, %sub3A_110, %sign3A_113 : i32
        %sign3A_115 = arith.extui %sign3A_114 : i1 to i32
        %sign3A_116 = arith.constant 0 : i32
        %sign3A_117 = arith.cmpi slt, %sub3A_110, %sign3A_116 : i32
        %sign3A_118 = arith.extui %sign3A_117 : i1 to i32
        %sign3A_119 = arith.subi %sign3A_115, %sign3A_118 : i32
        %sign3A_120 = arith.constant 0 : i32
        %sign3A_121 = arith.cmpi sgt, %jit3A_111, %sign3A_120 : i32
        %sign3A_122 = arith.extui %sign3A_121 : i1 to i32
        %sign3A_123 = arith.constant 0 : i32
        %sign3A_124 = arith.cmpi slt, %jit3A_111, %sign3A_123 : i32
        %sign3A_125 = arith.extui %sign3A_124 : i1 to i32
        %sign3A_126 = arith.subi %sign3A_122, %sign3A_125 : i32
        %ne3A_127 = arith.cmpi ne, %sign3A_119, %sign3A_126 : i32
        %rem3A_128 = arith.remsi %sub3A_110, %jit3A_111 : i32
        %ne3A_129 = arith.constant 0 : i32
        %ne3A_130 = arith.cmpi ne, %rem3A_128, %ne3A_129 : i32
        %and3A_131 = arith.andi %ne3A_127, %ne3A_130 : i1
        %sub3A_132 = arith.constant 1 : i32
        %sub3A_133 = arith.subi %div3A_112, %sub3A_132 : i32
        %select_n3A_134 = arith.select %and3A_131, %sub3A_133, %div3A_112 : i32
        %sub3A_135 = arith.constant 1 : i32
        %sub3A_136 = arith.subi %add3A_50, %sub3A_135 : i32
        %jit3A_137 = arith.constant 64 : i32
        %eq3A_138 = arith.constant 0 : i32
        %eq3A_139 = arith.cmpi eq, %jit3A_137, %eq3A_138 : i32
        %jit3A_140 = arith.constant 1 : i32
        %select_n3A_141 = arith.select %eq3A_139, %jit3A_140, %jit3A_137 : i32
        %rem3A_142 = arith.remsi %sub3A_136, %select_n3A_141 : i32
        %ne3A_143 = arith.constant 0 : i32
        %ne3A_144 = arith.cmpi ne, %rem3A_142, %ne3A_143 : i32
        %lt3A_145 = arith.constant 0 : i32
        %lt3A_146 = arith.cmpi slt, %rem3A_142, %lt3A_145 : i32
        %lt3A_147 = arith.constant 0 : i32
        %lt3A_148 = arith.cmpi slt, %select_n3A_141, %lt3A_147 : i32
        %ne3A_149 = arith.xori %lt3A_146, %lt3A_148 : i1
        %and3A_150 = arith.andi %ne3A_149, %ne3A_144 : i1
        %add3A_151 = arith.addi %rem3A_142, %select_n3A_141 : i32
        %select_n3A_152 = arith.select %and3A_150, %add3A_151, %rem3A_142 : i32
        %dma_wait3A_153 = arith.constant 0 : i32
        %dma_wait3A_154 = tpu.memref_slice %arg5[%select_n3A_134, %select_n3A_152, %dma_wait3A_153] : memref<8x64x16384xf32, #tpu.memory_space<hbm>> -> memref<1x1x16384xf32, #tpu.memory_space<hbm>>
        %dma_wait3A_155 = tpu.memref_squeeze %dma_wait3A_154 : memref<1x1x16384xf32, #tpu.memory_space<hbm>> -> memref<16384xf32, #tpu.memory_space<hbm>>
        %dma_wait3A_156 = arith.constant 0 : i32
        %dma_wait3A_157 = tpu.memref_slice %arg5[%select_n3A_134, %select_n3A_152, %dma_wait3A_156] : memref<8x64x16384xf32, #tpu.memory_space<hbm>> -> memref<1x1x16384xf32, #tpu.memory_space<hbm>>
        %dma_wait3A_158 = tpu.memref_squeeze %dma_wait3A_157 : memref<1x1x16384xf32, #tpu.memory_space<hbm>> -> memref<16384xf32, #tpu.memory_space<hbm>>
        tpu.wait_dma2 semaphore(%arg10 : memref<!tpu.dma_semaphore, #tpu.memory_space<semaphore_mem>>) src(%arg8 : memref<16384xf32, #tpu.memory_space<vmem>>) dst(%dma_wait3A_158 : memref<16384xf32, #tpu.memory_space<hbm>>)
      } else {
      }
      %parallel_loop3A = arith.constant 0 : i32
      %parallel_loop3A_93 = arith.constant 8192 : i32
      %parallel_loop3A_94 = arith.constant 16 : i32
      scf.for %parallel_loop3A_109 = %parallel_loop3A to %parallel_loop3A_93 step %parallel_loop3A_94  : i32 {
        %parallel_loop3A_110 = arith.index_cast %parallel_loop3A_109 : i32 to index
        %parallel_loop3A_111 = tpu.vector_load %arg7[%parallel_loop3A_110] {strides = array<i32>} : memref<8192xi32, #tpu.memory_space<vmem>>, vector<16xi32>,
        %parallel_loop3A_112 = tpu.vector_load_idx %arg6[%parallel_loop3A_111] : memref<100000xf32, #tpu.memory_space<vmem>>[vector<16xi32>], vector<16xf32>,
        %parallel_loop3A_113 = arith.constant 0 : i32
        %parallel_loop3A_114 = arith.addi %parallel_loop3A_113, %parallel_loop3A_109 : i32
        %parallel_loop3A_115 = arith.index_cast %parallel_loop3A_114 : i32 to index
        %parallel_loop3A_116 = tpu.vector_load %arg8[%parallel_loop3A_115] {strides = array<i32>} : memref<16384xf32, #tpu.memory_space<vmem>>, vector<16xf32>,
        tpu.vector_store %arg8[%parallel_loop3A_115], %parallel_loop3A_112 {strides = array<i32>} : memref<16384xf32, #tpu.memory_space<vmem>>, vector<16xf32>,
      } {sc.loop_unroll_factor = 16 : i64, sc.parallel_access}
      "tpu.region"() ({
        %run_scoped3A = tpu.sem_alloc : memref<!tpu.dma_semaphore, #tpu.memory_space<semaphore_mem>>
        %dma_start3A_109 = arith.constant 8192 : i32
        %dma_start3A_110 = tpu.memref_slice %arg2[%dma_start3A_109] : memref<16384xi32, #tpu.memory_space<hbm>> -> memref<8192xi32, #tpu.memory_space<hbm>>
        %dma_start3A_111 = arith.constant 8192 : i32
        %dma_start3A_112 = tpu.memref_slice %arg2[%dma_start3A_111] : memref<16384xi32, #tpu.memory_space<hbm>> -> memref<8192xi32, #tpu.memory_space<hbm>>
        tpu.enqueue_dma source(%dma_start3A_112 : memref<8192xi32, #tpu.memory_space<hbm>>) target(%arg7 : memref<8192xi32, #tpu.memory_space<vmem>>) target_semaphore(%run_scoped3A : memref<!tpu.dma_semaphore, #tpu.memory_space<semaphore_mem>>)
        %dma_wait3A_113 = arith.constant 8192 : i32
        %dma_wait3A_114 = tpu.memref_slice %arg2[%dma_wait3A_113] : memref<16384xi32, #tpu.memory_space<hbm>> -> memref<8192xi32, #tpu.memory_space<hbm>>
        %dma_wait3A_115 = arith.constant 8192 : i32
        %dma_wait3A_116 = tpu.memref_slice %arg2[%dma_wait3A_115] : memref<16384xi32, #tpu.memory_space<hbm>> -> memref<8192xi32, #tpu.memory_space<hbm>>
        tpu.wait_dma2 semaphore(%run_scoped3A : memref<!tpu.dma_semaphore, #tpu.memory_space<semaphore_mem>>) src(%dma_wait3A_116 : memref<8192xi32, #tpu.memory_space<hbm>>) dst(%arg7 : memref<8192xi32, #tpu.memory_space<vmem>>)
        tpu.yield
      }) : () -> ()
      %parallel_loop3A_95 = arith.constant 0 : i32
      %parallel_loop3A_96 = arith.constant 8192 : i32
      %parallel_loop3A_97 = arith.constant 16 : i32
      scf.for %parallel_loop3A_109 = %parallel_loop3A_95 to %parallel_loop3A_96 step %parallel_loop3A_97  : i32 {
        %parallel_loop3A_110 = arith.index_cast %parallel_loop3A_109 : i32 to index
        %parallel_loop3A_111 = tpu.vector_load %arg7[%parallel_loop3A_110] {strides = array<i32>} : memref<8192xi32, #tpu.memory_space<vmem>>, vector<16xi32>,
        %parallel_loop3A_112 = tpu.vector_load_idx %arg6[%parallel_loop3A_111] : memref<100000xf32, #tpu.memory_space<vmem>>[vector<16xi32>], vector<16xf32>,
        %parallel_loop3A_113 = arith.constant 8192 : i32
        %parallel_loop3A_114 = arith.addi %parallel_loop3A_113, %parallel_loop3A_109 : i32
        %parallel_loop3A_115 = arith.index_cast %parallel_loop3A_114 : i32 to index
        %parallel_loop3A_116 = tpu.vector_load %arg8[%parallel_loop3A_115] {strides = array<i32>} : memref<16384xf32, #tpu.memory_space<vmem>>, vector<16xf32>,
        tpu.vector_store %arg8[%parallel_loop3A_115], %parallel_loop3A_112 {strides = array<i32>} : memref<16384xf32, #tpu.memory_space<vmem>>, vector<16xf32>,
      } {sc.loop_unroll_factor = 16 : i64, sc.parallel_access}
      "tpu.region"() ({
        %run_scoped3A = tpu.sem_alloc : memref<!tpu.dma_semaphore, #tpu.memory_space<semaphore_mem>>
        %dma_start3A_109 = arith.constant 0 : i32
        %dma_start3A_110 = tpu.memref_slice %arg4[%select_n3A_74, %select_n3A_90, %dma_start3A_109] : memref<8x64x100000xf32, #tpu.memory_space<hbm>> -> memref<1x1x100000xf32, #tpu.memory_space<hbm>>
        %dma_start3A_111 = tpu.memref_squeeze %dma_start3A_110 : memref<1x1x100000xf32, #tpu.memory_space<hbm>> -> memref<100000xf32, #tpu.memory_space<hbm>>
        %dma_start3A_112 = arith.constant 0 : i32
        %dma_start3A_113 = tpu.memref_slice %arg4[%select_n3A_74, %select_n3A_90, %dma_start3A_112] : memref<8x64x100000xf32, #tpu.memory_space<hbm>> -> memref<1x1x100000xf32, #tpu.memory_space<hbm>>
        %dma_start3A_114 = tpu.memref_squeeze %dma_start3A_113 : memref<1x1x100000xf32, #tpu.memory_space<hbm>> -> memref<100000xf32, #tpu.memory_space<hbm>>
        tpu.enqueue_dma source(%dma_start3A_114 : memref<100000xf32, #tpu.memory_space<hbm>>) target(%arg6 : memref<100000xf32, #tpu.memory_space<vmem>>) target_semaphore(%run_scoped3A : memref<!tpu.dma_semaphore, #tpu.memory_space<semaphore_mem>>)
        %dma_wait3A_115 = arith.constant 0 : i32
        %dma_wait3A_116 = tpu.memref_slice %arg4[%select_n3A_74, %select_n3A_90, %dma_wait3A_115] : memref<8x64x100000xf32, #tpu.memory_space<hbm>> -> memref<1x1x100000xf32, #tpu.memory_space<hbm>>
        %dma_wait3A_117 = tpu.memref_squeeze %dma_wait3A_116 : memref<1x1x100000xf32, #tpu.memory_space<hbm>> -> memref<100000xf32, #tpu.memory_space<hbm>>
        %dma_wait3A_118 = arith.constant 0 : i32
        %dma_wait3A_119 = tpu.memref_slice %arg4[%select_n3A_74, %select_n3A_90, %dma_wait3A_118] : memref<8x64x100000xf32, #tpu.memory_space<hbm>> -> memref<1x1x100000xf32, #tpu.memory_space<hbm>>
        %dma_wait3A_120 = tpu.memref_squeeze %dma_wait3A_119 : memref<1x1x100000xf32, #tpu.memory_space<hbm>> -> memref<100000xf32, #tpu.memory_space<hbm>>
        tpu.wait_dma2 semaphore(%run_scoped3A : memref<!tpu.dma_semaphore, #tpu.memory_space<semaphore_mem>>) src(%dma_wait3A_120 : memref<100000xf32, #tpu.memory_space<hbm>>) dst(%arg6 : memref<100000xf32, #tpu.memory_space<vmem>>)
        tpu.yield
      }) : () -> ()
      %parallel_loop3A_98 = arith.constant 0 : i32
      %parallel_loop3A_99 = arith.constant 8192 : i32
      %parallel_loop3A_100 = arith.constant 16 : i32
      scf.for %parallel_loop3A_109 = %parallel_loop3A_98 to %parallel_loop3A_99 step %parallel_loop3A_100  : i32 {
        %parallel_loop3A_110 = arith.index_cast %parallel_loop3A_109 : i32 to index
        %parallel_loop3A_111 = tpu.vector_load %arg7[%parallel_loop3A_110] {strides = array<i32>} : memref<8192xi32, #tpu.memory_space<vmem>>, vector<16xi32>,
        %parallel_loop3A_112 = tpu.vector_load_idx %arg6[%parallel_loop3A_111] : memref<100000xf32, #tpu.memory_space<vmem>>[vector<16xi32>], vector<16xf32>,
        %parallel_loop3A_113 = arith.constant 80000 : i32
        %parallel_loop3A_114 = vector.broadcast %parallel_loop3A_113 : i32 to vector<16xi32>
        %parallel_loop3A_115 = arith.cmpi slt, %parallel_loop3A_111, %parallel_loop3A_114 : vector<16xi32>
        %parallel_loop3A_116 = arith.constant 1.000000e+00 : f32
        %parallel_loop3A_117 = arith.constant 0.000000e+00 : f32
        %parallel_loop3A_118 = vector.broadcast %parallel_loop3A_116 : f32 to vector<16xf32>
        %parallel_loop3A_119 = vector.broadcast %parallel_loop3A_117 : f32 to vector<16xf32>
        %parallel_loop3A_120 = arith.select %parallel_loop3A_115, %parallel_loop3A_118, %parallel_loop3A_119 : vector<16xi1>, vector<16xf32>
        %parallel_loop3A_121 = arith.constant 8192 : i32
        %parallel_loop3A_122 = arith.addi %parallel_loop3A_121, %parallel_loop3A_109 : i32
        %parallel_loop3A_123 = arith.index_cast %parallel_loop3A_122 : i32 to index
        %parallel_loop3A_124 = tpu.vector_load %arg8[%parallel_loop3A_123] {strides = array<i32>} : memref<16384xf32, #tpu.memory_space<vmem>>, vector<16xf32>,
        %parallel_loop3A_125 = arith.mulf %parallel_loop3A_112, %parallel_loop3A_120 : vector<16xf32>
        %parallel_loop3A_126 = arith.addf %parallel_loop3A_124, %parallel_loop3A_125 : vector<16xf32>
        %parallel_loop3A_127 = arith.index_cast %parallel_loop3A_122 : i32 to index
        %parallel_loop3A_128 = tpu.vector_load %arg8[%parallel_loop3A_127] {strides = array<i32>} : memref<16384xf32, #tpu.memory_space<vmem>>, vector<16xf32>,
        tpu.vector_store %arg8[%parallel_loop3A_127], %parallel_loop3A_126 {strides = array<i32>} : memref<16384xf32, #tpu.memory_space<vmem>>, vector<16xf32>,
      } {sc.loop_unroll_factor = 16 : i64, sc.parallel_access}
      "tpu.region"() ({
        %run_scoped3A = tpu.sem_alloc : memref<!tpu.dma_semaphore, #tpu.memory_space<semaphore_mem>>
        %dma_start3A_109 = arith.constant 0 : i32
        %dma_start3A_110 = tpu.memref_slice %arg2[%dma_start3A_109] : memref<16384xi32, #tpu.memory_space<hbm>> -> memref<8192xi32, #tpu.memory_space<hbm>>
        %dma_start3A_111 = arith.constant 0 : i32
        %dma_start3A_112 = tpu.memref_slice %arg2[%dma_start3A_111] : memref<16384xi32, #tpu.memory_space<hbm>> -> memref<8192xi32, #tpu.memory_space<hbm>>
        tpu.enqueue_dma source(%dma_start3A_112 : memref<8192xi32, #tpu.memory_space<hbm>>) target(%arg7 : memref<8192xi32, #tpu.memory_space<vmem>>) target_semaphore(%run_scoped3A : memref<!tpu.dma_semaphore, #tpu.memory_space<semaphore_mem>>)
        %dma_wait3A_113 = arith.constant 0 : i32
        %dma_wait3A_114 = tpu.memref_slice %arg2[%dma_wait3A_113] : memref<16384xi32, #tpu.memory_space<hbm>> -> memref<8192xi32, #tpu.memory_space<hbm>>
        %dma_wait3A_115 = arith.constant 0 : i32
        %dma_wait3A_116 = tpu.memref_slice %arg2[%dma_wait3A_115] : memref<16384xi32, #tpu.memory_space<hbm>> -> memref<8192xi32, #tpu.memory_space<hbm>>
        tpu.wait_dma2 semaphore(%run_scoped3A : memref<!tpu.dma_semaphore, #tpu.memory_space<semaphore_mem>>) src(%dma_wait3A_116 : memref<8192xi32, #tpu.memory_space<hbm>>) dst(%arg7 : memref<8192xi32, #tpu.memory_space<vmem>>)
        tpu.yield
      }) : () -> ()
      %parallel_loop3A_101 = arith.constant 0 : i32
      %parallel_loop3A_102 = arith.constant 8192 : i32
      %parallel_loop3A_103 = arith.constant 16 : i32
      scf.for %parallel_loop3A_109 = %parallel_loop3A_101 to %parallel_loop3A_102 step %parallel_loop3A_103  : i32 {
        %parallel_loop3A_110 = arith.index_cast %parallel_loop3A_109 : i32 to index
        %parallel_loop3A_111 = tpu.vector_load %arg7[%parallel_loop3A_110] {strides = array<i32>} : memref<8192xi32, #tpu.memory_space<vmem>>, vector<16xi32>,
        %parallel_loop3A_112 = tpu.vector_load_idx %arg6[%parallel_loop3A_111] : memref<100000xf32, #tpu.memory_space<vmem>>[vector<16xi32>], vector<16xf32>,
        %parallel_loop3A_113 = arith.constant 80000 : i32
        %parallel_loop3A_114 = vector.broadcast %parallel_loop3A_113 : i32 to vector<16xi32>
        %parallel_loop3A_115 = arith.cmpi slt, %parallel_loop3A_111, %parallel_loop3A_114 : vector<16xi32>
        %parallel_loop3A_116 = arith.constant 1.000000e+00 : f32
        %parallel_loop3A_117 = arith.constant 0.000000e+00 : f32
        %parallel_loop3A_118 = vector.broadcast %parallel_loop3A_116 : f32 to vector<16xf32>
        %parallel_loop3A_119 = vector.broadcast %parallel_loop3A_117 : f32 to vector<16xf32>
        %parallel_loop3A_120 = arith.select %parallel_loop3A_115, %parallel_loop3A_118, %parallel_loop3A_119 : vector<16xi1>, vector<16xf32>
        %parallel_loop3A_121 = arith.constant 0 : i32
        %parallel_loop3A_122 = arith.addi %parallel_loop3A_121, %parallel_loop3A_109 : i32
        %parallel_loop3A_123 = arith.index_cast %parallel_loop3A_122 : i32 to index
        %parallel_loop3A_124 = tpu.vector_load %arg8[%parallel_loop3A_123] {strides = array<i32>} : memref<16384xf32, #tpu.memory_space<vmem>>, vector<16xf32>,
        %parallel_loop3A_125 = arith.mulf %parallel_loop3A_112, %parallel_loop3A_120 : vector<16xf32>
        %parallel_loop3A_126 = arith.addf %parallel_loop3A_124, %parallel_loop3A_125 : vector<16xf32>
        %parallel_loop3A_127 = arith.index_cast %parallel_loop3A_122 : i32 to index
        %parallel_loop3A_128 = tpu.vector_load %arg8[%parallel_loop3A_127] {strides = array<i32>} : memref<16384xf32, #tpu.memory_space<vmem>>, vector<16xf32>,
        tpu.vector_store %arg8[%parallel_loop3A_127], %parallel_loop3A_126 {strides = array<i32>} : memref<16384xf32, #tpu.memory_space<vmem>>, vector<16xf32>,
      } {sc.loop_unroll_factor = 16 : i64, sc.parallel_access}
      %dma_start3A = arith.constant 0 : i32
      %dma_start3A_104 = tpu.memref_slice %arg5[%select_n3A_74, %select_n3A_90, %dma_start3A] : memref<8x64x16384xf32, #tpu.memory_space<hbm>> -> memref<1x1x16384xf32, #tpu.memory_space<hbm>>
      %dma_start3A_105 = tpu.memref_squeeze %dma_start3A_104 : memref<1x1x16384xf32, #tpu.memory_space<hbm>> -> memref<16384xf32, #tpu.memory_space<hbm>>
      %dma_start3A_106 = arith.constant 0 : i32
      %dma_start3A_107 = tpu.memref_slice %arg5[%select_n3A_74, %select_n3A_90, %dma_start3A_106] : memref<8x64x16384xf32, #tpu.memory_space<hbm>> -> memref<1x1x16384xf32, #tpu.memory_space<hbm>>
      %dma_start3A_108 = tpu.memref_squeeze %dma_start3A_107 : memref<1x1x16384xf32, #tpu.memory_space<hbm>> -> memref<16384xf32, #tpu.memory_space<hbm>>
      tpu.enqueue_dma source(%arg8 : memref<16384xf32, #tpu.memory_space<vmem>>) target(%dma_start3A_108 : memref<16384xf32, #tpu.memory_space<hbm>>) target_semaphore(%arg10 : memref<!tpu.dma_semaphore, #tpu.memory_space<semaphore_mem>>)
    }
    %scan3A_5 = arith.constant 16 : i32
    %mul3A_6 = arith.constant 16 : i32
    %mul3A_7 = arith.muli %add3A, %mul3A_6 : i32
    %add3A_8 = arith.constant 16 : i32
    %add3A_9 = arith.addi %mul3A_7, %add3A_8 : i32
    %sub3A = arith.constant 1 : i32
    %sub3A_10 = arith.subi %add3A_9, %sub3A : i32
    %jit3A = arith.constant 64 : i32
    %div3A = arith.divsi %sub3A_10, %jit3A : i32
    %sign3A = arith.constant 0 : i32
    %sign3A_11 = arith.cmpi sgt, %sub3A_10, %sign3A : i32
    %sign3A_12 = arith.extui %sign3A_11 : i1 to i32
    %sign3A_13 = arith.constant 0 : i32
    %sign3A_14 = arith.cmpi slt, %sub3A_10, %sign3A_13 : i32
    %sign3A_15 = arith.extui %sign3A_14 : i1 to i32
    %sign3A_16 = arith.subi %sign3A_12, %sign3A_15 : i32
    %sign3A_17 = arith.constant 0 : i32
    %sign3A_18 = arith.cmpi sgt, %jit3A, %sign3A_17 : i32
    %sign3A_19 = arith.extui %sign3A_18 : i1 to i32
    %sign3A_20 = arith.constant 0 : i32
    %sign3A_21 = arith.cmpi slt, %jit3A, %sign3A_20 : i32
    %sign3A_22 = arith.extui %sign3A_21 : i1 to i32
    %sign3A_23 = arith.subi %sign3A_19, %sign3A_22 : i32
    %ne3A = arith.cmpi ne, %sign3A_16, %sign3A_23 : i32
    %rem3A = arith.remsi %sub3A_10, %jit3A : i32
    %ne3A_24 = arith.constant 0 : i32
    %ne3A_25 = arith.cmpi ne, %rem3A, %ne3A_24 : i32
    %and3A = arith.andi %ne3A, %ne3A_25 : i1
    %sub3A_26 = arith.constant 1 : i32
    %sub3A_27 = arith.subi %div3A, %sub3A_26 : i32
    %select_n3A = arith.select %and3A, %sub3A_27, %div3A : i32
    %jit3A_28 = arith.constant 64 : i32
    %eq3A = arith.constant 0 : i32
    %eq3A_29 = arith.cmpi eq, %jit3A_28, %eq3A : i32
    %jit3A_30 = arith.constant 1 : i32
    %select_n3A_31 = arith.select %eq3A_29, %jit3A_30, %jit3A_28 : i32
    %rem3A_32 = arith.remsi %sub3A_10, %select_n3A_31 : i32
    %ne3A_33 = arith.constant 0 : i32
    %ne3A_34 = arith.cmpi ne, %rem3A_32, %ne3A_33 : i32
    %lt3A = arith.constant 0 : i32
    %lt3A_35 = arith.cmpi slt, %rem3A_32, %lt3A : i32
    %lt3A_36 = arith.constant 0 : i32
    %lt3A_37 = arith.cmpi slt, %select_n3A_31, %lt3A_36 : i32
    %ne3A_38 = arith.xori %lt3A_35, %lt3A_37 : i1
    %and3A_39 = arith.andi %ne3A_38, %ne3A_34 : i1
    %add3A_40 = arith.addi %rem3A_32, %select_n3A_31 : i32
    %select_n3A_41 = arith.select %and3A_39, %add3A_40, %rem3A_32 : i32
    %dma_wait3A = arith.constant 0 : i32
    %dma_wait3A_42 = tpu.memref_slice %arg5[%select_n3A, %select_n3A_41, %dma_wait3A] : memref<8x64x16384xf32, #tpu.memory_space<hbm>> -> memref<1x1x16384xf32, #tpu.memory_space<hbm>>
    %dma_wait3A_43 = tpu.memref_squeeze %dma_wait3A_42 : memref<1x1x16384xf32, #tpu.memory_space<hbm>> -> memref<16384xf32, #tpu.memory_space<hbm>>
    %dma_wait3A_44 = arith.constant 0 : i32
    %dma_wait3A_45 = tpu.memref_slice %arg5[%select_n3A, %select_n3A_41, %dma_wait3A_44] : memref<8x64x16384xf32, #tpu.memory_space<hbm>> -> memref<1x1x16384xf32, #tpu.memory_space<hbm>>
    %dma_wait3A_46 = tpu.memref_squeeze %dma_wait3A_45 : memref<1x1x16384xf32, #tpu.memory_space<hbm>> -> memref<16384xf32, #tpu.memory_space<hbm>>
    tpu.wait_dma2 semaphore(%arg10 : memref<!tpu.dma_semaphore, #tpu.memory_space<semaphore_mem>>) src(%arg8 : memref<16384xf32, #tpu.memory_space<vmem>>) dst(%dma_wait3A_46 : memref<16384xf32, #tpu.memory_space<hbm>>)
    return
  }
}

</mosaic_0001>

<sc_bundles>
// kernel: kernel.3.cloned.1.call-start
scs
__scs_entry_jumppad:
0x0: {  	(pc) =	sbr.rel $0x88, $3  }
0x1: {  	(tag) =	ssettag $0x0;
	lr =	simm.s32 $0x1  }
0x2: {  	[smem:$0x3F9E] =	sst lr;
	_ =	strace $0xD0000000  }
0x3: {  	_ = 	snop  }
0x4: {  	_ = 	snop  }
0x5: {  	_ = 	snop  }
0x6: {  	_ = 	snop  }
0x7: {  	_ = 	snop  }
__scs_overlays_trampoline_lowered:
0x8: {  	[smem:$0x3FAD] =	sst s0  }
0x9: {  	[smem:$0x3FAE] =	sst s1  }
0xa: {  	[smem:$0x3FAF] =	sst s2  }
0xb: {  	[smem:$0x3FB0] =	sst s3  }
0xc: {  	[smem:$0x3FB1] =	sst s4  }
0xd: {  	[smem:$0x3FB2] =	sst s5  }
0xe: {  	[smem:$0x3FB3] =	sst s6  }
0xf: {  	[smem:$0x3FB4] =	sst s7  }
0x10: {  	[smem:$0x3FB5] =	sst s8  }
0x11: {  	[smem:$0x3FB6] =	sst s9;
	s0 =	simm.s32 @!p0 $0x0  }
0x12: {  	s1 =	sld [smem:$0x3F9C];
	s0 =	simm.s32 @p0 $0x1  }
0x13: {  	[smem:$0x3FB7] =	sst s0;
	s0 =	simm.s32 @!p1 $0x0  }
0x14: {  	s2 =	sld [smem:$0x3F9B];
	s0 =	simm.s32 @p1 $0x1  }
0x15: {  	[smem:$0x3FB8] =	sst s0;
	s0 =	simm.s32 @!p2 $0x0  }
0x16: {  	s3 =	sld [smem:$0x3FDB];
	s0 =	simm.s32 @p2 $0x1  }
0x17: {  	s4 =	simm.s32 $0x1BF5;
	[smem:$0x3FBA] =	sst s0  }
0x18: {  	s0 =	sld [smem:$0x3F9D];
	_ =	swait.ge [sflag:s4], $0x0  }
0x19: {  	s7 =	sld [smem:$0x3F9E]  }
0x1a: {  	s8 =	sadd.s32 $0xFFFFE003, lr  }
0x1b: {  	s9 =	sadd.s32 $0xFFFFFEF7, lr;
	s5 =	simm.s32 $0xFFFFFFFF;
	p2 =	slt.u32 s8, $0xFFFFF086  }
0x1c: {  	p1 =	slt.u32 s9, $0xF7A;
	s5 =	simm.s32 @!p2 $0x0  }
0x1d: {  	s5 =	simm.s32 @p1 $0x1;
	p0 =	seq.s32 s7, s2  }
0x1e: {  	s7 =	smul.u32 @!p0 $0xF7A, s2;
	p2 =	seq.s32 @!p0 s5, $0x0  }
0x1f: {  	s9 =	smul.u32 $0xF7A, s1;
	s8 =	simm.s32 @!p0 $0x1BF5;
	p2 =	por !p2, p0  }
0x20: {  	[sflag:s8] =	ssyncset.s32 @!p0 $0xFFFFF086;
	s6 =	sadd.s32 @!p0 s3, s7;
	s7 =	simm.s32 @!p0 $0x108  }
0x21: {  	s3 =	sadd.s32 s3, s9;
	s6 =	sadd.s32 @!p0 $0x88, s6;
	s7 =	simm.s32 @p2 $0x1082  }
0x22: {  	[simem:s7], [sflag:s8] =	dma.local @!p0 [hbm:s6], $0xF7A  }
0x23: {  	s9 =	sor.u32 $0xD0000000, s2;
	s6 =	simm.s32 $0x108;
	_ =	swait.ge @!p0 [sflag:s8], $0x0  }
0x24: {  	s3 =	sadd.s32 $0x88, s3;
	s6 =	simm.s32 @!p1 $0x1082;
	[sflag:s4] =	ssyncset.s32 $0xFFFFF086  }
0x25: {  	[simem:s6], [sflag:s4] =	dma.local [hbm:s3], $0xF7A  }
0x26: {  	[smem:$0x3F9E] =	sst s1;
	(tag) =	ssettag s2;
	_ =	strace s9  }
0x27: {  	s1 =	sld [smem:$0x3FAE]  }
0x28: {  	s2 =	sld [smem:$0x3FAF]  }
0x29: {  	s4 =	sld [smem:$0x3FB1]  }
0x2a: {  	p0 =	seq.s32 s5, $0x0;
	s5 =	sld [smem:$0x3FB2]  }
0x2b: {  	s6 =	sld [smem:$0x3FB3]  }
0x2c: {  	s7 =	sld [smem:$0x3FB4]  }
0x2d: {  	s3 =	simm.s32 $0x108;
	s8 =	sld [smem:$0x3FB5]  }
0x2e: {  	s3 =	simm.s32 @!p0 $0x1082;
	s9 =	sld [smem:$0x3FB6]  }
0x2f: {  	lr =	sadd.s32 s0, s3;
	s0 =	sld [smem:$0x3FAD]  }
0x30: {  	s3 =	sld [smem:$0x3FB0]  }
0x31: {  	[smem:$0x3FB9] =	sst s10  }
0x32: {  	s10 =	sld [smem:$0x3FB7];
	_ =	sdelay $0x3  }
0x33: {  	p0 =	seq.s32 s10, $0x1;
	s10 =	sld [smem:$0x3FB9];
	_ =	sdelay $0x3  }
0x34: {  	[smem:$0x3FB9] =	sst s10  }
0x35: {  	s10 =	sld [smem:$0x3FB8];
	_ =	sdelay $0x3  }
0x36: {  	p1 =	seq.s32 s10, $0x1;
	s10 =	sld [smem:$0x3FB9];
	_ =	sdelay $0x3  }
0x37: {  	[smem:$0x3FB9] =	sst s10  }
0x38: {  	s10 =	sld [smem:$0x3FBA]  }
0x39: {  	_ = 	snop;
	(pc) =	sbr.ind lr, $3  }
0x3a: {  	_ = 	snop  }
0x3b: {  	_ = 	snop  }
0x3c: {  	p2 =	seq.s32 s10, $0x1;
	s10 =	sld [smem:$0x3FB9]  }
0x3d: {  	_ =	shalt  }
0x3e: {  	_ =	shalt  }
0x3f: {  	_ =	shalt  }
0x40: {  	_ =	shalt  }
0x41: {  	_ =	shalt  }
0x42: {  	_ =	shalt  }
0x43: {  	_ =	shalt  }
0x44: {  	_ =	shalt  }
0x45: {  	_ =	shalt  }
0x46: {  	_ =	shalt  }
0x47: {  	_ =	shalt  }
0x48: {  	_ =	shalt  }
0x49: {  	_ =	shalt  }
0x4a: {  	_ =	shalt  }
0x4b: {  	_ =	shalt  }
0x4c: {  	_ =	shalt  }
0x4d: {  	_ =	shalt  }
0x4e: {  	_ =	shalt  }
0x4f: {  	_ =	shalt  }
0x50: {  	_ =	shalt  }
0x51: {  	_ =	shalt  }
0x52: {  	_ =	shalt  }
0x53: {  	_ =	shalt  }
0x54: {  	_ =	shalt  }
0x55: {  	_ =	shalt  }
0x56: {  	_ =	shalt  }
0x57: {  	_ =	shalt  }
0x58: {  	_ =	shalt  }
0x59: {  	_ =	shalt  }
0x5a: {  	_ =	shalt  }
0x5b: {  	_ =	shalt  }
0x5c: {  	_ =	shalt  }
0x5d: {  	_ =	shalt  }
0x5e: {  	_ =	shalt  }
0x5f: {  	_ =	shalt  }
0x60: {  	_ =	shalt  }
0x61: {  	_ =	shalt  }
0x62: {  	_ =	shalt  }
0x63: {  	_ =	shalt  }
0x64: {  	_ =	shalt  }
0x65: {  	_ =	shalt  }
0x66: {  	_ =	shalt  }
0x67: {  	_ =	shalt  }
0x68: {  	_ =	shalt  }
0x69: {  	_ =	shalt  }
0x6a: {  	_ =	shalt  }
0x6b: {  	_ =	shalt  }
0x6c: {  	_ =	shalt  }
0x6d: {  	_ =	shalt  }
0x6e: {  	_ =	shalt  }
0x6f: {  	_ =	shalt  }
0x70: {  	_ =	shalt  }
0x71: {  	_ =	shalt  }
0x72: {  	_ =	shalt  }
0x73: {  	_ =	shalt  }
0x74: {  	_ =	shalt  }
0x75: {  	_ =	shalt  }
0x76: {  	_ =	shalt  }
0x77: {  	_ =	shalt  }
0x78: {  	_ =	shalt  }
0x79: {  	_ =	shalt  }
0x7a: {  	_ =	shalt  }
0x7b: {  	_ =	shalt  }
0x7c: {  	_ =	shalt  }
0x7d: {  	_ =	shalt  }
0x7e: {  	_ =	shalt  }
0x7f: {  	_ =	shalt  }
0x80: {  	_ =	shalt  }
0x81: {  	_ =	shalt  }
0x82: {  	_ =	shalt  }
0x83: {  	_ =	shalt  }
0x84: {  	_ =	shalt  }
0x85: {  	_ =	shalt  }
0x86: {  	_ =	shalt  }
0x87: {  	_ =	shalt  }
.Lfunc_end0:
.L_simem_size_0:
called_computation_lowered:
.L_overlay_start_0:
0x88: {  	s2 =	sld [smem:$0x3FD9]  }
0x89: {  	s3 =	sld [smem:$0x3FFE];
	_ =	sdelay $0x1  }
0x8a: {  	s1 =	srdreg.scid  }
0x8b: {  	s0 =	sand.u32 $0x1, s1  }
0x8c: {  	s18 =	sshll.u32 s0, $0xA;
	s2 =	sadd.s32 s3, s2  }
0x8d: {  	s2 =	sadd.s32 s2, s18  }
0x8e: {  	[smem:$0x3FC5] =	sst s2  }
0x8f: {  	_ = 	snop  }
0x90: {  	s2 =	sld [smem:$0x3FC9]  }
0x91: {  	s19 =	sld [smem:$0x3FC8]  }
0x92: {  	s4 =	sld [smem:$0x3FC7]  }
0x93: {  	s5 =	sld [smem:$0x3FD0];
	(tm) =	ssettm $0x1  }
0x94: {  	s6 =	sld [smem:$0x3FFB];
	_ =	sdelay $0x3  }
0x95: {  	_ =	strace s6  }
0x96: {  	s6 =	sld [smem:$0x3FFC];
	_ =	sdelay $0x3  }
0x97: {  	_ =	strace s6  }
0x98: {  	s6 =	sld [smem:$0x3FFD];
	_ =	sdelay $0x3  }
0x99: {  	_ =	strace s6  }
0x9a: {  	_ =	strace $0x8FFFFFFF  }
0x9b: {  	s20 =	sld [smem:$0x3FDB];
	_ =	sdelay $0x1  }
0x9c: {  	s7 =	simm.s32 $_scs_section_size  }
0x9d: {  	s8 =	simm.s32 $_size__tile_overlayer_lowered;
	s9 =	simm.s32 $_tile_overlayer_lowered  }
0x9e: {  	s23 =	simm.s32 $0x1BFF;
	s22 =	sshll.u32 s9, $0x1;
	s6 =	sadd.s32 s7, s20  }
0x9f: {  	s10 =	simm.s32 $0x0;
	s21 =	sshll.u32 s8, $0x1;
	s8 =	sadd.s32 s22, s6  }
0xa0: {  	[timem:s10], [sflag:s23] =	dma.local [hbm:s8], s21  }
0xa1: {  	_ =	swait.ge [sflag:s23], s21  }
0xa2: {  	s7 =	ssub.s32 $0x0, s21;
	[sflag:s23] =	ssyncset.done $0x0  }
0xa3: {  	[sflag:s23] =	ssyncadd.s32 s7;
	_ =	sdelay $0x1  }
0xa4: {  	s24 =	simm.s32 $0x1B8B  }
0xa5: {  	_ =	swait.ge [sflag:s24], $0x1  }
0xa6: {  	[sflag:s24] =	ssyncset.done $0x0  }
0xa7: {  	s25 =	simm.s32 $0x1B8E;
	[sflag:s24] =	ssyncadd.s32 $0xFFFFFFFF  }
0xa8: {  	s26 =	simm.s32 $execute0_lowered;
	[smem:$0x3FD2] =	sst s25  }
0xa9: {  	s7 =	sshll.u32 s26, $0x1;
	_ =	strace $0x80000046;
	[dreg:$0x1] =	wrdreg $0xFFFFFFFF  }
0xaa: {  	s28 =	simm.s32 $_size_execute0_lowered;
	s6 =	sadd.s32 s6, s7;
	[dreg:$0x0] =	wrdreg $0x0  }
0xab: {  	s7 =	sshll.u32 s28, $0x1;
	[dreg:$0x2] =	wrdreg s6  }
0xac: {  	[dreg:$0x3] =	wrdreg s7  }
0xad: {  	[dreg:$0x4] =	wrdreg $0xC0  }
0xae: {  	_ =	task [dreg:s10], $0x5FFFF  }
0xaf: {  	[dreg:$0x1] =	wrdreg $0xFFFFFFFF  }
0xb0: {  	[dreg:$0x0] =	wrdreg $0x60  }
0xb1: {  	[dreg:$0x2] =	wrdreg s2  }
0xb2: {  	[dreg:$0x3] =	wrdreg s19  }
0xb3: {  	[dreg:$0x4] =	wrdreg s4  }
0xb4: {  	[dreg:$0x5] =	wrdreg s5  }
0xb5: {  	[dreg:$0x6] =	wrdreg $0x9  }
0xb6: {  	_ =	task.clear_ibuf [dreg:s10], $0x7FFFF;
	_ =	strace $0x90000046  }
0xb7: {  	s29 =	simm.s32 $0x9;
	_ =	strace $0x80000048  }
0xb8: {  	_ =	swait.ge [sflag:s29], $0x1  }
0xb9: {  	[sflag:s29] =	ssyncadd.s32 $0xFFFFFFFF  }
0xba: {  	_ =	strace $0x90000048  }
0xbb: {  	_ =	sfence  }
0xbc: {  	s30 =	sld [smem:$0x0];
	_ =	sdelay $0x2  }
0xbd: {  	s31 =	sshll.u32 s1, $0xD;
	s1 =	sshrl.u32 s1, $0x2  }
0xbe: {  	s3 =	sand.u32 $0x4000, s31;
	s1 =	sadd.s32 s1, s30  }
0xbf: {  	s0 =	sor.u32 s3, s0;
	s1 =	sshll.u32 s1, $0x11  }
0xc0: {  	s0 =	sor.u32 s1, s0  }
0xc1: {  	s0 =	sadd.s32 $0x8F2B, s0  }
0xc2: {  	[sflag:s0] =	ssyncadd.remote.s32 $0x1  }
0xc3: {  	_ =	sfence.sel $0xFFFF  }
0xc4: {  	[dreg:$0x0] =	wrdreg $0xFFFFFFFF;
	(pc) =	sbr.abs _section_cstart, $3  }
0xc5: {  	[dreg:$0x1] =	wrdreg $0xFFFFFFFF  }
0xc6: {  	_ =	task.clear_ibuf [dreg:s10], $0x2FFFF;
	_ =	strace $0x9FFFFFFF  }
0xc7: {  	(tm) =	ssettm $0x7FFFFFFF  }
tec
execute0_lowered:
.L_overlay_start_1:
0x0: {  	(tag) =	ssettag $0x1  }
0x1: {  	s1 =	rddreg [dreg:$0x0]  }
0x2: {  	s2 =	rddreg [dreg:$0x1]  }
0x3: {  	s3 =	rddreg [dreg:$0x2]  }
0x4: {  	s0 =	srdreg.scid;
	s4 =	rddreg [dreg:$0x3];
	s6 =	simm.s32 $0x0  }
0x5: {  	s5 =	stileid.u32;
	s12 =	simm.s32 $0x18700;
	s13 =	simm.s32 $0x2  }
0x6: {  	s14 =	simm.s32 $0x80;
	s15 =	simm.s32 $0x400;
	s16 =	simm.s32 $0x1A700  }
0x7: {  	s17 =	simm.s32 $0x1;
	s7 =	sand.u32 $0x1, s0;
	s0 =	rddreg [dreg:$0x4]  }
0x8: {  	s18 =	simm.s32 $0x0;
	[smem:$0x7FF] =	sst s6;
	s8 =	ssub.s32 $0x2, s7  }
0x9: {  	s31 =	sshll.u32 s5, $0x5;
	s10 =	sshrl.u32 s5, $0x1;
	s9 =	sshrl.u32 s8, $0x1  }
0xa: {  	s7 =	sshll.u32 s7, $0x4;
	s11 =	ssub.s32 s8, s9;
	s8 =	sand.u32 $0x20, s31  }
0xb: {  	_ =	strace $0x80000047;
	s9 =	sadd.s32 $0x400, s1;
	s7 =	sor.u32 s7, s8  }
0xc: {  	v0 =	vimm.f32 $0.0e+00;
	s8 =	smul.u32 $0x61C000, s10;
	s10 =	sshll.u32 s10, $0x14;
	s11 =	smax.u32 s11, $0x1  }
.LBB2_1:
0xd: {  	[tilespmem:s12], [sflag:$0x2] =	stream.linear.gather [hbm4b:s1+s6], $0x2000, $0x38;
	[tilespmem:$0x1E700] =	vst v63  }
0xe: {  	_ =	swait.ge [sflag:s13], $0x2000  }
0xf: {  	[sflag:s13] =	ssyncset.done $0x0  }
0x10: {  	s19 =	simm.s32 $0x0;
	[sflag:s13] =	ssyncadd.s32 $0xFFFFE000  }
.LBB2_2:
0x11: {  	s20 =	sadd.s32 s7, s19  }
0x12: {  	s21 =	sshrl.u32 s20, $0x3  }
0x13: {  	s22 =	smul.u32 $0xC3800, s21  }
0x14: {  	s30 =	sshll.u32 s19, $0x7  }
0x15: {  	s20 =	sand.u32 $0x380, s30;
	s22 =	sadd.s32 s8, s22  }
0x16: {  	s22 =	sor.u32 s20, s22  }
0x17: {  	s22 =	sshrl.u32 s22, $0x3  }
0x18: {  	s23 =	sadd.s32 s2, s22  }
0x19: {  	[tilespmem:s6], [sflag:$0x2] =	stream.strided.gather [hbm4b:s23+s14], $0x18700, s15, s14, $0x38;
	[tilespmem:$0x1E700] =	vst v63  }
0x1a: {  	_ =	swait.ge [sflag:s13], $0x18700  }
0x1b: {  	p0 =	seq.s32 s19, $0x0;
	[sflag:s13] =	ssyncset.done $0x0  }
0x1c: {  	s23 =	simm.s32 @!p0 $0x1;
	[sflag:s13] =	ssyncadd.s32 $0xFFFE7900  }
0x1d: {  	_ =	swait.ge @!p0 [sflag:s23], $0x4000  }
0x1e: {  	[sflag:s23] =	ssyncset.done @!p0 $0x0  }
0x1f: {  	s31 =	simm.s32 $0x18780;
	[sflag:s23] =	ssyncadd.s32 @!p0 $0xFFFFC000  }
0x20: {  	v1 =	vld [tilespmem:s31+$0x70]  }
0x21: {  	v2 =	vld [tilespmem:s31+$0xFFFFFF90]  }
0x22: {  	v3 =	vld [tilespmem:s31+$0xFFFFFFA0]  }
0x23: {  	v4 =	vld [tilespmem:s31+$0xFFFFFFB0]  }
0x24: {  	v5 =	vld [tilespmem:s31+$0xFFFFFFC0]  }
0x25: {  	v6 =	vld [tilespmem:s31+$0xFFFFFFD0]  }
0x26: {  	v7 =	vld [tilespmem:s31+$0xFFFFFFE0]  }
0x27: {  	v8 =	vld [tilespmem:s31+$0xFFFFFFF0]  }
0x28: {  	v9 =	vld [tilespmem:s31+$0x0]  }
0x29: {  	v10 =	vld [tilespmem:s31+$0x10]  }
0x2a: {  	v11 =	vld [tilespmem:s31+$0x20]  }
0x2b: {  	v12 =	vld [tilespmem:s31+$0x30]  }
0x2c: {  	v13 =	vld [tilespmem:s31+$0x40]  }
0x2d: {  	v14 =	vld [tilespmem:s31+$0x50]  }
0x2e: {  	v15 =	vld [tilespmem:s31+$0x60]  }
0x2f: {  	v16 =	vld [tilespmem:s31+$0xFFFFFF80]  }
0x30: {  	v1 =	vld.idx.msk [tilespmem:v1+s6+$0x0], $0xffff  }
0x31: {  	v2 =	vld.idx.msk [tilespmem:v2+s6+$0x0], $0xffff  }
0x32: {  	v3 =	vld.idx.msk [tilespmem:v3+s6+$0x0], $0xffff  }
0x33: {  	v4 =	vld.idx.msk [tilespmem:v4+s6+$0x0], $0xffff  }
0x34: {  	v5 =	vld.idx.msk [tilespmem:v5+s6+$0x0], $0xffff  }
0x35: {  	s23 =	simm.s32 $0x1A780;
	v6 =	vld.idx.msk [tilespmem:v6+s6+$0x0], $0xffff  }
0x36: {  	v7 =	vld.idx.msk [tilespmem:v7+s6+$0x0], $0xffff;
	[tilespmem:s23+$0x70] =	vst v1  }
0x37: {  	v8 =	vld.idx.msk [tilespmem:v8+s6+$0x0], $0xffff;
	[tilespmem:s23+$0xFFFFFF90] =	vst v2  }
0x38: {  	v16 =	vld.idx.msk [tilespmem:v16+s6+$0x0], $0xffff;
	[tilespmem:s23+$0xFFFFFFA0] =	vst v3  }
0x39: {  	v9 =	vld.idx.msk [tilespmem:v9+s6+$0x0], $0xffff;
	[tilespmem:s23+$0xFFFFFFB0] =	vst v4  }
0x3a: {  	[tilespmem:s23+$0xFFFFFFC0] =	vst v5;
	v1 =	vld.idx.msk [tilespmem:v10+s6+$0x0], $0xffff  }
0x3b: {  	[tilespmem:s23+$0xFFFFFFD0] =	vst v6;
	v2 =	vld.idx.msk [tilespmem:v11+s6+$0x0], $0xffff  }
0x3c: {  	[tilespmem:s23+$0xFFFFFFE0] =	vst v7;
	v3 =	vld.idx.msk [tilespmem:v12+s6+$0x0], $0xffff  }
0x3d: {  	[tilespmem:s23+$0xFFFFFFF0] =	vst v8;
	v4 =	vld.idx.msk [tilespmem:v13+s6+$0x0], $0xffff  }
0x3e: {  	[tilespmem:s23+$0xFFFFFF80] =	vst v16;
	v5 =	vld.idx.msk [tilespmem:v14+s6+$0x0], $0xffff  }
0x3f: {  	s24 =	simm.s32 $0x0;
	s25 =	simm.s32 $0x18880;
	[tilespmem:s23+$0x0] =	vst v9;
	v6 =	vld.idx.msk [tilespmem:v15+s6+$0x0], $0xffff  }
.LBB2_3:
0x40: {  	v7 =	vld [tilespmem:s25+$0x70];
	s24 =	sadd.s32 $0x100, s24;
	[tilespmem:s23+$0x10] =	vst v1  }
0x41: {  	v1 =	vld [tilespmem:s25+$0xFFFFFF90];
	p0 =	slt.u32 s24, $0x1F00;
	[tilespmem:s23+$0x20] =	vst v2  }
0x42: {  	v2 =	vld [tilespmem:s25+$0xFFFFFFA0];
	[tilespmem:s23+$0x30] =	vst v3  }
0x43: {  	v3 =	vld [tilespmem:s25+$0xFFFFFFB0];
	[tilespmem:s23+$0x40] =	vst v4  }
0x44: {  	v4 =	vld [tilespmem:s25+$0xFFFFFFC0];
	[tilespmem:s23+$0x50] =	vst v5  }
0x45: {  	v5 =	vld [tilespmem:s25+$0xFFFFFFD0];
	[tilespmem:s23+$0x60] =	vst v6  }
0x46: {  	v6 =	vld [tilespmem:s25+$0xFFFFFFE0]  }
0x47: {  	v8 =	vld [tilespmem:s25+$0xFFFFFFF0]  }
0x48: {  	v7 =	vld.idx.msk [tilespmem:v7+s6+$0x0], $0xffff  }
0x49: {  	v9 =	vld [tilespmem:s25+$0x0]  }
0x4a: {  	v10 =	vld [tilespmem:s25+$0x10]  }
0x4b: {  	v11 =	vld [tilespmem:s25+$0x20]  }
0x4c: {  	v12 =	vld [tilespmem:s25+$0x30]  }
0x4d: {  	s23 =	sadd.s32 $0x100, s23;
	v13 =	vld [tilespmem:s25+$0x40]  }
0x4e: {  	v14 =	vld [tilespmem:s25+$0x50];
	[tilespmem:s23+$0x70] =	vst v7  }
0x4f: {  	v7 =	vld [tilespmem:s25+$0x60]  }
0x50: {  	v15 =	vld [tilespmem:s25+$0xFFFFFF80]  }
0x51: {  	v1 =	vld.idx.msk [tilespmem:v1+s6+$0x0], $0xffff  }
0x52: {  	v2 =	vld.idx.msk [tilespmem:v2+s6+$0x0], $0xffff  }
0x53: {  	v3 =	vld.idx.msk [tilespmem:v3+s6+$0x0], $0xffff  }
0x54: {  	v4 =	vld.idx.msk [tilespmem:v4+s6+$0x0], $0xffff  }
0x55: {  	v5 =	vld.idx.msk [tilespmem:v5+s6+$0x0], $0xffff  }
0x56: {  	v6 =	vld.idx.msk [tilespmem:v6+s6+$0x0], $0xffff  }
0x57: {  	[tilespmem:s23+$0xFFFFFF90] =	vst v1;
	v8 =	vld.idx.msk [tilespmem:v8+s6+$0x0], $0xffff  }
0x58: {  	v15 =	vld.idx.msk [tilespmem:v15+s6+$0x0], $0xffff;
	[tilespmem:s23+$0xFFFFFFA0] =	vst v2  }
0x59: {  	[tilespmem:s23+$0xFFFFFFB0] =	vst v3;
	v9 =	vld.idx.msk [tilespmem:v9+s6+$0x0], $0xffff  }
0x5a: {  	[tilespmem:s23+$0xFFFFFFC0] =	vst v4;
	v1 =	vld.idx.msk [tilespmem:v10+s6+$0x0], $0xffff  }
.Ltmp0:
0x5b: {  	[tilespmem:s23+$0xFFFFFFD0] =	vst v5;
	v2 =	vld.idx.msk [tilespmem:v11+s6+$0x0], $0xffff;
	(pc) =	sbr.rel @p0 .LBB2_3-.Ltmp0, $4  }
0x5c: {  	[tilespmem:s23+$0xFFFFFFE0] =	vst v6;
	v3 =	vld.idx.msk [tilespmem:v12+s6+$0x0], $0xffff  }
0x5d: {  	[tilespmem:s23+$0xFFFFFFF0] =	vst v8;
	v4 =	vld.idx.msk [tilespmem:v13+s6+$0x0], $0xffff  }
0x5e: {  	[tilespmem:s23+$0xFFFFFF80] =	vst v15;
	v5 =	vld.idx.msk [tilespmem:v14+s6+$0x0], $0xffff  }
0x5f: {  	s25 =	sadd.s32 $0x100, s25;
	[tilespmem:s23+$0x0] =	vst v9;
	v6 =	vld.idx.msk [tilespmem:v7+s6+$0x0], $0xffff  }
0x60: {  	[tilespmem:s23+$0x10] =	vst v1  }
0x61: {  	[tilespmem:s23+$0x20] =	vst v2  }
0x62: {  	[tilespmem:s23+$0x30] =	vst v3  }
0x63: {  	[tilespmem:s23+$0x40] =	vst v4  }
0x64: {  	[tilespmem:s23+$0x50] =	vst v5  }
0x65: {  	[tilespmem:s23+$0x60] =	vst v6  }
0x66: {  	[tilespmem:s12], [sflag:$0x2] =	stream.linear.gather [hbm4b:s9+s6], $0x2000, $0x38;
	[tilespmem:$0x1E700] =	vst v63  }
0x67: {  	_ =	swait.ge [sflag:s13], $0x2000  }
0x68: {  	[sflag:s13] =	ssyncset.done $0x0  }
0x69: {  	s31 =	simm.s32 $0x18780;
	[sflag:s13] =	ssyncadd.s32 $0xFFFFE000  }
0x6a: {  	v1 =	vld [tilespmem:s31+$0x70]  }
0x6b: {  	v2 =	vld [tilespmem:s31+$0xFFFFFF90]  }
0x6c: {  	v3 =	vld [tilespmem:s31+$0xFFFFFFA0]  }
0x6d: {  	v4 =	vld [tilespmem:s31+$0xFFFFFFB0]  }
0x6e: {  	v5 =	vld [tilespmem:s31+$0xFFFFFFC0]  }
0x6f: {  	v6 =	vld [tilespmem:s31+$0xFFFFFFD0]  }
0x70: {  	v7 =	vld [tilespmem:s31+$0xFFFFFFE0]  }
0x71: {  	v8 =	vld [tilespmem:s31+$0xFFFFFFF0]  }
0x72: {  	v9 =	vld [tilespmem:s31+$0x0]  }
0x73: {  	v10 =	vld [tilespmem:s31+$0x10]  }
0x74: {  	v11 =	vld [tilespmem:s31+$0x20]  }
0x75: {  	v12 =	vld [tilespmem:s31+$0x30]  }
0x76: {  	v13 =	vld [tilespmem:s31+$0x40]  }
0x77: {  	v14 =	vld [tilespmem:s31+$0x50]  }
0x78: {  	v15 =	vld [tilespmem:s31+$0x60]  }
0x79: {  	v16 =	vld [tilespmem:s31+$0xFFFFFF80]  }
0x7a: {  	v1 =	vld.idx.msk [tilespmem:v1+s6+$0x0], $0xffff  }
0x7b: {  	v2 =	vld.idx.msk [tilespmem:v2+s6+$0x0], $0xffff  }
0x7c: {  	v3 =	vld.idx.msk [tilespmem:v3+s6+$0x0], $0xffff  }
0x7d: {  	v4 =	vld.idx.msk [tilespmem:v4+s6+$0x0], $0xffff  }
0x7e: {  	v5 =	vld.idx.msk [tilespmem:v5+s6+$0x0], $0xffff  }
0x7f: {  	s23 =	simm.s32 $0x1C7F0;
	v6 =	vld.idx.msk [tilespmem:v6+s6+$0x0], $0xffff  }
0x80: {  	v7 =	vld.idx.msk [tilespmem:v7+s6+$0x0], $0xffff;
	[tilespmem:s23+$0x0] =	vst v1  }
0x81: {  	v8 =	vld.idx.msk [tilespmem:v8+s6+$0x0], $0xffff;
	[tilespmem:s23+$0xFFFFFF20] =	vst v2  }
0x82: {  	v16 =	vld.idx.msk [tilespmem:v16+s6+$0x0], $0xffff;
	[tilespmem:s23+$0xFFFFFF30] =	vst v3  }
0x83: {  	v9 =	vld.idx.msk [tilespmem:v9+s6+$0x0], $0xffff;
	[tilespmem:s23+$0xFFFFFF40] =	vst v4  }
0x84: {  	[tilespmem:s23+$0xFFFFFF50] =	vst v5;
	v1 =	vld.idx.msk [tilespmem:v10+s6+$0x0], $0xffff  }
0x85: {  	[tilespmem:s23+$0xFFFFFF60] =	vst v6;
	v2 =	vld.idx.msk [tilespmem:v11+s6+$0x0], $0xffff  }
0x86: {  	[tilespmem:s23+$0xFFFFFF70] =	vst v7;
	v3 =	vld.idx.msk [tilespmem:v12+s6+$0x0], $0xffff  }
0x87: {  	[tilespmem:s23+$0xFFFFFF80] =	vst v8;
	v4 =	vld.idx.msk [tilespmem:v13+s6+$0x0], $0xffff  }
0x88: {  	[tilespmem:s23+$0xFFFFFF10] =	vst v16;
	v5 =	vld.idx.msk [tilespmem:v14+s6+$0x0], $0xffff  }
0x89: {  	s24 =	simm.s32 $0x0;
	s25 =	simm.s32 $0x18880;
	[tilespmem:s23+$0xFFFFFF90] =	vst v9;
	v6 =	vld.idx.msk [tilespmem:v15+s6+$0x0], $0xffff  }
.LBB2_5:
0x8a: {  	v7 =	vld [tilespmem:s25+$0x70];
	s24 =	sadd.s32 $0x100, s24;
	[tilespmem:s23+$0xFFFFFFA0] =	vst v1  }
0x8b: {  	v1 =	vld [tilespmem:s25+$0xFFFFFF90];
	p0 =	slt.u32 s24, $0x1F00;
	[tilespmem:s23+$0xFFFFFFB0] =	vst v2  }
0x8c: {  	v2 =	vld [tilespmem:s25+$0xFFFFFFA0];
	[tilespmem:s23+$0xFFFFFFC0] =	vst v3  }
0x8d: {  	v3 =	vld [tilespmem:s25+$0xFFFFFFB0];
	[tilespmem:s23+$0xFFFFFFD0] =	vst v4  }
0x8e: {  	v4 =	vld [tilespmem:s25+$0xFFFFFFC0];
	[tilespmem:s23+$0xFFFFFFE0] =	vst v5  }
0x8f: {  	v5 =	vld [tilespmem:s25+$0xFFFFFFD0];
	[tilespmem:s23+$0xFFFFFFF0] =	vst v6  }
0x90: {  	v6 =	vld [tilespmem:s25+$0xFFFFFFE0]  }
0x91: {  	v8 =	vld [tilespmem:s25+$0xFFFFFFF0]  }
0x92: {  	v7 =	vld.idx.msk [tilespmem:v7+s6+$0x0], $0xffff  }
0x93: {  	v9 =	vld [tilespmem:s25+$0x0]  }
0x94: {  	v10 =	vld [tilespmem:s25+$0x10]  }
0x95: {  	v11 =	vld [tilespmem:s25+$0x20]  }
0x96: {  	v12 =	vld [tilespmem:s25+$0x30]  }
0x97: {  	s23 =	sadd.s32 $0x100, s23;
	v13 =	vld [tilespmem:s25+$0x40]  }
0x98: {  	v14 =	vld [tilespmem:s25+$0x50];
	[tilespmem:s23+$0x0] =	vst v7  }
0x99: {  	v7 =	vld [tilespmem:s25+$0x60]  }
0x9a: {  	v15 =	vld [tilespmem:s25+$0xFFFFFF80]  }
0x9b: {  	v1 =	vld.idx.msk [tilespmem:v1+s6+$0x0], $0xffff  }
0x9c: {  	v2 =	vld.idx.msk [tilespmem:v2+s6+$0x0], $0xffff  }
0x9d: {  	v3 =	vld.idx.msk [tilespmem:v3+s6+$0x0], $0xffff  }
0x9e: {  	v4 =	vld.idx.msk [tilespmem:v4+s6+$0x0], $0xffff  }
0x9f: {  	v5 =	vld.idx.msk [tilespmem:v5+s6+$0x0], $0xffff  }
0xa0: {  	v6 =	vld.idx.msk [tilespmem:v6+s6+$0x0], $0xffff  }
0xa1: {  	[tilespmem:s23+$0xFFFFFF20] =	vst v1;
	v8 =	vld.idx.msk [tilespmem:v8+s6+$0x0], $0xffff  }
0xa2: {  	v15 =	vld.idx.msk [tilespmem:v15+s6+$0x0], $0xffff;
	[tilespmem:s23+$0xFFFFFF30] =	vst v2  }
0xa3: {  	[tilespmem:s23+$0xFFFFFF40] =	vst v3;
	v9 =	vld.idx.msk [tilespmem:v9+s6+$0x0], $0xffff  }
0xa4: {  	[tilespmem:s23+$0xFFFFFF50] =	vst v4;
	v1 =	vld.idx.msk [tilespmem:v10+s6+$0x0], $0xffff  }
.Ltmp1:
0xa5: {  	[tilespmem:s23+$0xFFFFFF60] =	vst v5;
	v2 =	vld.idx.msk [tilespmem:v11+s6+$0x0], $0xffff;
	(pc) =	sbr.rel @p0 .LBB2_5-.Ltmp1, $4  }
0xa6: {  	[tilespmem:s23+$0xFFFFFF70] =	vst v6;
	v3 =	vld.idx.msk [tilespmem:v12+s6+$0x0], $0xffff  }
0xa7: {  	[tilespmem:s23+$0xFFFFFF80] =	vst v8;
	v4 =	vld.idx.msk [tilespmem:v13+s6+$0x0], $0xffff  }
0xa8: {  	[tilespmem:s23+$0xFFFFFF10] =	vst v15;
	v5 =	vld.idx.msk [tilespmem:v14+s6+$0x0], $0xffff  }
0xa9: {  	s25 =	sadd.s32 $0x100, s25;
	[tilespmem:s23+$0xFFFFFF90] =	vst v9;
	v6 =	vld.idx.msk [tilespmem:v7+s6+$0x0], $0xffff  }
0xaa: {  	[tilespmem:s23+$0xFFFFFFA0] =	vst v1  }
0xab: {  	[tilespmem:s23+$0xFFFFFFB0] =	vst v2  }
0xac: {  	[tilespmem:s23+$0xFFFFFFC0] =	vst v3  }
0xad: {  	[tilespmem:s23+$0xFFFFFFD0] =	vst v4  }
0xae: {  	[tilespmem:s23+$0xFFFFFFE0] =	vst v5  }
0xaf: {  	s22 =	sadd.s32 s3, s22;
	[tilespmem:s23+$0xFFFFFFF0] =	vst v6  }
0xb0: {  	[tilespmem:s6], [sflag:$0x2] =	stream.strided.gather [hbm4b:s22+s14], $0x18700, s15, s14, $0x38;
	[tilespmem:$0x1E700] =	vst v63  }
0xb1: {  	_ =	swait.ge [sflag:s13], $0x18700  }
0xb2: {  	[sflag:s13] =	ssyncset.done $0x0  }
0xb3: {  	s31 =	simm.s32 $0x18780;
	[sflag:s13] =	ssyncadd.s32 $0xFFFE7900  }
0xb4: {  	v1 =	vld [tilespmem:s31+$0x70]  }
0xb5: {  	v2 =	vld [tilespmem:s31+$0xFFFFFF90]  }
0xb6: {  	v3 =	vld [tilespmem:s31+$0xFFFFFFA0]  }
0xb7: {  	v4 =	vld [tilespmem:s31+$0xFFFFFFB0]  }
0xb8: {  	v5 =	vld [tilespmem:s31+$0xFFFFFFC0]  }
0xb9: {  	v6 =	vld [tilespmem:s31+$0xFFFFFFD0]  }
0xba: {  	v7 =	vld [tilespmem:s31+$0xFFFFFFE0]  }
0xbb: {  	v8 =	vld [tilespmem:s31+$0xFFFFFFF0]  }
0xbc: {  	v10 =	vld [tilespmem:s31+$0x0]  }
0xbd: {  	s22 =	simm.s32 $0x1C7F0;
	v11 =	vld [tilespmem:s31+$0x10]  }
0xbe: {  	v12 =	vld [tilespmem:s22+$0x0]  }
0xbf: {  	v13 =	vld [tilespmem:s31+$0x20]  }
0xc0: {  	v14 =	vld [tilespmem:s31+$0x30]  }
0xc1: {  	v15 =	vld [tilespmem:s31+$0x40]  }
0xc2: {  	v16 =	vld [tilespmem:s31+$0x50]  }
0xc3: {  	v17 =	vld [tilespmem:s31+$0x60]  }
0xc4: {  	v18 =	vld [tilespmem:s31+$0xFFFFFF80]  }
0xc5: {  	v54 =	vld [tilespmem:s22+$0xFFFFFF10]  }
0xc6: {  	v57 =	vld [tilespmem:s22+$0xFFFFFF40]  }
0xc7: {  	v60 =	vld [tilespmem:s22+$0xFFFFFF60]  }
0xc8: {  	v9 =	vld.idx.msk [tilespmem:v1+s6+$0x0], $0xffff  }
0xc9: {  	v19 =	vld.idx.msk [tilespmem:v2+s6+$0x0], $0xffff  }
0xca: {  	v20 =	vld.idx.msk [tilespmem:v3+s6+$0x0], $0xffff  }
0xcb: {  	v21 =	vld.idx.msk [tilespmem:v4+s6+$0x0], $0xffff  }
0xcc: {  	v22 =	vld.idx.msk [tilespmem:v5+s6+$0x0], $0xffff  }
0xcd: {  	v23 =	vld.idx.msk [tilespmem:v6+s6+$0x0], $0xffff  }
0xce: {  	v24 =	vld.idx.msk [tilespmem:v7+s6+$0x0], $0xffff  }
0xcf: {  	vm0 =	vlt.s32 v2, $0x13880;
	v25 =	vld.idx.msk [tilespmem:v8+s6+$0x0], $0xffff  }
0xd0: {  	vm1 =	vlt.s32 v1, $0x13880;
	vm15 =	vlt.s32 v3, $0x13880;
	vm4 =	vlt.s32 v4, $0x13880;
	v26 =	vld.idx.msk [tilespmem:v18+s6+$0x0], $0xffff  }
0xd1: {  	vm2 =	vlt.s32 v5, $0x13880;
	vm5 =	vlt.s32 v6, $0x13880;
	vm6 =	vlt.s32 v7, $0x13880;
	v27 =	vld.idx.msk [tilespmem:v10+s6+$0x0], $0xffff  }
0xd2: {  	vm7 =	vlt.s32 v8, $0x13880;
	vm8 =	vlt.s32 v18, $0x13880;
	vm9 =	vlt.s32 v10, $0x13880;
	v28 =	vld.idx.msk [tilespmem:v11+s6+$0x0], $0xffff  }
0xd3: {  	vm10 =	vlt.s32 v11, $0x13880;
	vm11 =	vlt.s32 v13, $0x13880;
	vm12 =	vlt.s32 v14, $0x13880;
	v1 =	vld.idx.msk [tilespmem:v13+s6+$0x0], $0xffff  }
0xd4: {  	vm13 =	vlt.s32 v15, $0x13880;
	vm14 =	vlt.s32 v16, $0x13880;
	v30 =	vsel vm2, $0x3F800000, v0;
	v29 =	vld.idx.msk [tilespmem:v14+s6+$0x0], $0xffff  }
0xd5: {  	v55 =	vsel vm7, $0x3F800000, v0;
	v56 =	vsel vm9, $0x3F800000, v0;
	v58 =	vsel vm10, $0x3F800000, v0;
	v10 =	vld [tilespmem:s22+$0xFFFFFF30]  }
0xd6: {  	v59 =	vsel vm11, $0x3F800000, v0;
	v2 =	vsel vm0, $0x3F800000, v0;
	v3 =	vsel vm1, $0x3F800000, v0;
	v8 =	vld [tilespmem:s22+$0xFFFFFF20]  }
0xd7: {  	v4 =	vld.idx.msk [tilespmem:v15+s6+$0x0], $0xffff;
	v5 =	vsel vm15, $0x3F800000, v0;
	v18 =	vsel vm8, $0x3F800000, v0;
	v3 =	vmul.f32 v3, v9  }
0xd8: {  	v31 =	vld.idx.msk [tilespmem:v16+s6+$0x0], $0xffff;
	v6 =	vsel vm5, $0x3F800000, v0;
	v5 =	vmul.f32 v5, v20;
	v18 =	vmul.f32 v18, v26  }
0xd9: {  	v7 =	vsel vm6, $0x3F800000, v0;
	v13 =	vld [tilespmem:s22+$0xFFFFFF50];
	v2 =	vmul.f32 v2, v19;
	v3 =	vadd.f32 v3, v12  }
0xda: {  	v9 =	vsel vm4, $0x3F800000, v0;
	v18 =	vadd.f32 v18, v54;
	v5 =	vadd.f32 v5, v10;
	v10 =	vld [tilespmem:s22+$0xFFFFFF80]  }
0xdb: {  	v11 =	vmul.f32 v30, v22;
	v9 =	vmul.f32 v9, v21;
	v2 =	vadd.f32 v2, v8;
	[tilespmem:s22+$0x0] =	vst v3;
	v3 =	vld [tilespmem:s22+$0xFFFFFF70]  }
0xdc: {  	v14 =	vsel vm13, $0x3F800000, v0;
	v15 =	vld [tilespmem:s22+$0xFFFFFF90];
	v6 =	vmul.f32 v6, v23;
	v7 =	vmul.f32 v7, v24;
	[tilespmem:s22+$0xFFFFFF10] =	vst v18  }
0xdd: {  	vm15 =	vlt.s32 v17, $0x13880;
	v61 =	vmul.f32 v56, v27;
	v12 =	vld.idx.msk [tilespmem:v17+s6+$0x0], $0xffff;
	[tilespmem:s22+$0xFFFFFF20] =	vst v2;
	v2 =	vadd.f32 v9, v57  }
0xde: {  	v62 =	vmul.f32 v58, v28;
	[tilespmem:s22+$0xFFFFFF30] =	vst v5;
	v5 =	vadd.f32 v11, v13;
	v11 =	vld [tilespmem:s22+$0xFFFFFFA0];
	v13 =	vmul.f32 v55, v25  }
0xdf: {  	v8 =	vsel vm12, $0x3F800000, v0;
	v9 =	vsel vm14, $0x3F800000, v0;
	[tilespmem:s22+$0xFFFFFF40] =	vst v2;
	v2 =	vadd.f32 v6, v60;
	v6 =	vld [tilespmem:s22+$0xFFFFFFB0]  }
0xe0: {  	[tilespmem:s22+$0xFFFFFF50] =	vst v5;
	v5 =	vmul.f32 v59, v1;
	v10 =	vadd.f32 v13, v10;
	v63 =	vadd.f32 v7, v3;
	v7 =	vld [tilespmem:s22+$0xFFFFFFC0]  }
0xe1: {  	v1 =	vmul.f32 v8, v29;
	v8 =	vld [tilespmem:s22+$0xFFFFFFD0];
	v13 =	vsel vm15, $0x3F800000, v0;
	[tilespmem:s22+$0xFFFFFF60] =	vst v2;
	v2 =	vmul.f32 v9, v31  }
0xe2: {  	v9 =	vld [tilespmem:s22+$0xFFFFFFE0];
	v3 =	vmul.f32 v14, v4;
	v4 =	vmul.f32 v13, v12;
	v12 =	vadd.f32 v61, v15;
	[tilespmem:s22+$0xFFFFFF80] =	vst v10  }
0xe3: {  	s24 =	simm.s32 $0x18880;
	s23 =	simm.s32 $0x0;
	v11 =	vadd.f32 v62, v11;
	v10 =	vld [tilespmem:s22+$0xFFFFFFF0];
	[tilespmem:s22+$0xFFFFFF70] =	vst v63  }
.LBB2_7:
0xe4: {  	v13 =	vld [tilespmem:s24+$0x70];
	s23 =	sadd.s32 $0x100, s23;
	[tilespmem:s22+$0xFFFFFF90] =	vst v12;
	v5 =	vadd.f32 v5, v6  }
0xe5: {  	v6 =	vld [tilespmem:s24+$0xFFFFFF90];
	p0 =	slt.u32 s23, $0x1F00;
	[tilespmem:s22+$0xFFFFFFA0] =	vst v11;
	v1 =	vadd.f32 v1, v7  }
0xe6: {  	v7 =	vld [tilespmem:s24+$0xFFFFFFA0];
	[tilespmem:s22+$0xFFFFFFB0] =	vst v5;
	v3 =	vadd.f32 v3, v8  }
0xe7: {  	v5 =	vld [tilespmem:s24+$0xFFFFFFB0];
	[tilespmem:s22+$0xFFFFFFC0] =	vst v1;
	v1 =	vadd.f32 v2, v9  }
0xe8: {  	v2 =	vld [tilespmem:s24+$0xFFFFFFC0];
	[tilespmem:s22+$0xFFFFFFD0] =	vst v3;
	v3 =	vadd.f32 v4, v10  }
0xe9: {  	v4 =	vld [tilespmem:s24+$0xFFFFFFD0];
	[tilespmem:s22+$0xFFFFFFE0] =	vst v1  }
0xea: {  	vm0 =	vlt.s32 v6, $0x13880;
	v1 =	vld [tilespmem:s24+$0xFFFFFFE0];
	[tilespmem:s22+$0xFFFFFFF0] =	vst v3  }
0xeb: {  	v3 =	vsel vm0, $0x3F800000, v0;
	vm0 =	vlt.s32 v7, $0x13880;
	v8 =	vld [tilespmem:s24+$0xFFFFFFF0]  }
0xec: {  	v9 =	vsel vm0, $0x3F800000, v0;
	vm0 =	vlt.s32 v5, $0x13880;
	v10 =	vld.idx.msk [tilespmem:v13+s6+$0x0], $0xffff  }
0xed: {  	v11 =	vsel vm0, $0x3F800000, v0;
	vm0 =	vlt.s32 v2, $0x13880;
	v12 =	vld [tilespmem:s24+$0x0]  }
0xee: {  	s22 =	sadd.s32 $0x100, s22;
	v14 =	vsel vm0, $0x3F800000, v0;
	vm0 =	vlt.s32 v4, $0x13880;
	v15 =	vld [tilespmem:s24+$0x10]  }
0xef: {  	v16 =	vsel vm0, $0x3F800000, v0;
	vm0 =	vlt.s32 v1, $0x13880;
	v17 =	vld [tilespmem:s22+$0x0]  }
0xf0: {  	vm1 =	vlt.s32 v13, $0x13880;
	v18 =	vsel vm0, $0x3F800000, v0;
	vm0 =	vlt.s32 v8, $0x13880;
	v19 =	vld [tilespmem:s24+$0x20]  }
0xf1: {  	v21 =	vsel vm1, $0x3F800000, v0;
	v13 =	vsel vm0, $0x3F800000, v0;
	v20 =	vld [tilespmem:s24+$0x30]  }
0xf2: {  	v10 =	vmul.f32 v21, v10;
	vm0 =	vlt.s32 v12, $0x13880;
	v22 =	vld [tilespmem:s24+$0x40]  }
0xf3: {  	v21 =	vsel vm0, $0x3F800000, v0;
	vm0 =	vlt.s32 v15, $0x13880;
	v23 =	vld [tilespmem:s24+$0x50]  }
0xf4: {  	v24 =	vsel vm0, $0x3F800000, v0;
	v25 =	vld [tilespmem:s24+$0x60];
	v10 =	vadd.f32 v10, v17  }
0xf5: {  	v17 =	vld [tilespmem:s24+$0xFFFFFF80];
	vm0 =	vlt.s32 v19, $0x13880  }
0xf6: {  	v6 =	vld.idx.msk [tilespmem:v6+s6+$0x0], $0xffff;
	v26 =	vsel vm0, $0x3F800000, v0;
	vm0 =	vlt.s32 v20, $0x13880;
	[tilespmem:s22+$0x0] =	vst v10  }
0xf7: {  	v7 =	vld.idx.msk [tilespmem:v7+s6+$0x0], $0xffff;
	v10 =	vsel vm0, $0x3F800000, v0;
	vm0 =	vlt.s32 v22, $0x13880  }
0xf8: {  	v5 =	vld.idx.msk [tilespmem:v5+s6+$0x0], $0xffff;
	v27 =	vsel vm0, $0x3F800000, v0;
	vm0 =	vlt.s32 v23, $0x13880  }
0xf9: {  	v2 =	vld.idx.msk [tilespmem:v2+s6+$0x0], $0xffff;
	v28 =	vsel vm0, $0x3F800000, v0;
	vm0 =	vlt.s32 v25, $0x13880  }
0xfa: {  	vm1 =	vlt.s32 v17, $0x13880;
	v4 =	vld.idx.msk [tilespmem:v4+s6+$0x0], $0xffff;
	v29 =	vsel vm0, $0x3F800000, v0  }
0xfb: {  	v30 =	vsel vm1, $0x3F800000, v0;
	v1 =	vld.idx.msk [tilespmem:v1+s6+$0x0], $0xffff  }
0xfc: {  	v6 =	vmul.f32 v3, v6;
	v3 =	vld.idx.msk [tilespmem:v8+s6+$0x0], $0xffff  }
0xfd: {  	v7 =	vmul.f32 v9, v7;
	v8 =	vld.idx.msk [tilespmem:v17+s6+$0x0], $0xffff  }
0xfe: {  	v9 =	vmul.f32 v11, v5;
	v5 =	vld.idx.msk [tilespmem:v12+s6+$0x0], $0xffff  }
0xff: {  	v11 =	vmul.f32 v14, v2;
	v2 =	vld.idx.msk [tilespmem:v15+s6+$0x0], $0xffff  }
0x100: {  	v12 =	vmul.f32 v16, v4;
	v4 =	vld.idx.msk [tilespmem:v19+s6+$0x0], $0xffff  }
0x101: {  	v14 =	vmul.f32 v18, v1;
	v1 =	vld.idx.msk [tilespmem:v20+s6+$0x0], $0xffff  }
0x102: {  	v13 =	vmul.f32 v13, v3;
	v3 =	vld.idx.msk [tilespmem:v22+s6+$0x0], $0xffff  }
0x103: {  	v8 =	vmul.f32 v30, v8;
	v15 =	vld.idx.msk [tilespmem:v23+s6+$0x0], $0xffff  }
0x104: {  	v16 =	vmul.f32 v21, v5;
	v17 =	vld.idx.msk [tilespmem:v25+s6+$0x0], $0xffff  }
0x105: {  	v19 =	vmul.f32 v24, v2;
	v18 =	vld [tilespmem:s22+$0xFFFFFF10]  }
0x106: {  	v5 =	vmul.f32 v26, v4;
	v20 =	vld [tilespmem:s22+$0xFFFFFF20]  }
0x107: {  	v1 =	vmul.f32 v10, v1;
	v21 =	vld [tilespmem:s22+$0xFFFFFF30]  }
0x108: {  	v3 =	vmul.f32 v27, v3;
	v10 =	vld [tilespmem:s22+$0xFFFFFF40]  }
0x109: {  	v2 =	vmul.f32 v28, v15;
	v22 =	vld [tilespmem:s22+$0xFFFFFF50]  }
0x10a: {  	v4 =	vmul.f32 v29, v17;
	v8 =	vadd.f32 v8, v18;
	v15 =	vld [tilespmem:s22+$0xFFFFFF60]  }
0x10b: {  	v6 =	vadd.f32 v6, v20;
	v17 =	vld [tilespmem:s22+$0xFFFFFF70]  }
0x10c: {  	[tilespmem:s22+$0xFFFFFF10] =	vst v8;
	v7 =	vadd.f32 v7, v21;
	v8 =	vld [tilespmem:s22+$0xFFFFFF80]  }
0x10d: {  	[tilespmem:s22+$0xFFFFFF20] =	vst v6;
	v6 =	vadd.f32 v9, v10;
	v9 =	vld [tilespmem:s22+$0xFFFFFF90]  }
0x10e: {  	[tilespmem:s22+$0xFFFFFF30] =	vst v7;
	v7 =	vadd.f32 v11, v22;
	v10 =	vld [tilespmem:s22+$0xFFFFFFA0]  }
.Ltmp2:
0x10f: {  	[tilespmem:s22+$0xFFFFFF40] =	vst v6;
	v11 =	vadd.f32 v12, v15;
	v6 =	vld [tilespmem:s22+$0xFFFFFFB0];
	(pc) =	sbr.rel @p0 .LBB2_7-.Ltmp2, $4  }
0x110: {  	[tilespmem:s22+$0xFFFFFF50] =	vst v7;
	v12 =	vadd.f32 v14, v17;
	v7 =	vld [tilespmem:s22+$0xFFFFFFC0]  }
0x111: {  	[tilespmem:s22+$0xFFFFFF60] =	vst v11;
	v11 =	vadd.f32 v13, v8;
	v8 =	vld [tilespmem:s22+$0xFFFFFFD0]  }
0x112: {  	[tilespmem:s22+$0xFFFFFF70] =	vst v12;
	v12 =	vadd.f32 v16, v9;
	v9 =	vld [tilespmem:s22+$0xFFFFFFE0]  }
0x113: {  	s24 =	sadd.s32 $0x100, s24;
	[tilespmem:s22+$0xFFFFFF80] =	vst v11;
	v11 =	vadd.f32 v19, v10;
	v10 =	vld [tilespmem:s22+$0xFFFFFFF0]  }
0x114: {  	[tilespmem:s22+$0xFFFFFF90] =	vst v12;
	v5 =	vadd.f32 v5, v6  }
0x115: {  	[tilespmem:s22+$0xFFFFFFA0] =	vst v11;
	v1 =	vadd.f32 v1, v7  }
0x116: {  	[tilespmem:s22+$0xFFFFFFB0] =	vst v5;
	v3 =	vadd.f32 v3, v8  }
0x117: {  	[tilespmem:s22+$0xFFFFFFC0] =	vst v1;
	v1 =	vadd.f32 v2, v9  }
0x118: {  	[tilespmem:s22+$0xFFFFFFD0] =	vst v3;
	v2 =	vadd.f32 v4, v10  }
0x119: {  	[tilespmem:s22+$0xFFFFFFE0] =	vst v1  }
0x11a: {  	[tilespmem:s22+$0xFFFFFFF0] =	vst v2  }
0x11b: {  	[tilespmem:s12], [sflag:$0x2] =	stream.linear.gather [hbm4b:s1+s6], $0x2000, $0x38;
	[tilespmem:$0x1E700] =	vst v63  }
0x11c: {  	_ =	swait.ge [sflag:s13], $0x2000  }
0x11d: {  	[sflag:s13] =	ssyncset.done $0x0  }
0x11e: {  	s23 =	simm.s32 $0x18780;
	[sflag:s13] =	ssyncadd.s32 $0xFFFFE000  }
0x11f: {  	v1 =	vld [tilespmem:s23+$0x70]  }
0x120: {  	v2 =	vld [tilespmem:s23+$0xFFFFFF90]  }
0x121: {  	v3 =	vld [tilespmem:s23+$0xFFFFFFA0]  }
0x122: {  	v4 =	vld [tilespmem:s23+$0xFFFFFFB0]  }
0x123: {  	v5 =	vld [tilespmem:s23+$0xFFFFFFC0]  }
0x124: {  	v6 =	vld [tilespmem:s23+$0xFFFFFFD0]  }
0x125: {  	v7 =	vld [tilespmem:s23+$0xFFFFFFE0]  }
0x126: {  	v8 =	vld [tilespmem:s23+$0xFFFFFFF0]  }
0x127: {  	v10 =	vld [tilespmem:s23+$0x0]  }
0x128: {  	s22 =	simm.s32 $0x1A780;
	v11 =	vld [tilespmem:s23+$0x10]  }
0x129: {  	v12 =	vld [tilespmem:s22+$0x70]  }
0x12a: {  	v13 =	vld [tilespmem:s23+$0x20]  }
0x12b: {  	v14 =	vld [tilespmem:s23+$0x30]  }
0x12c: {  	v15 =	vld [tilespmem:s23+$0x40]  }
0x12d: {  	v16 =	vld [tilespmem:s23+$0x50]  }
0x12e: {  	v17 =	vld [tilespmem:s23+$0x60]  }
0x12f: {  	v18 =	vld [tilespmem:s23+$0xFFFFFF80]  }
0x130: {  	v54 =	vld [tilespmem:s22+$0xFFFFFF80]  }
0x131: {  	v57 =	vld [tilespmem:s22+$0xFFFFFFB0]  }
0x132: {  	v60 =	vld [tilespmem:s22+$0xFFFFFFD0]  }
0x133: {  	v9 =	vld.idx.msk [tilespmem:v1+s6+$0x0], $0xffff  }
0x134: {  	v19 =	vld.idx.msk [tilespmem:v2+s6+$0x0], $0xffff  }
0x135: {  	v20 =	vld.idx.msk [tilespmem:v3+s6+$0x0], $0xffff  }
0x136: {  	v21 =	vld.idx.msk [tilespmem:v4+s6+$0x0], $0xffff  }
0x137: {  	v22 =	vld.idx.msk [tilespmem:v5+s6+$0x0], $0xffff  }
0x138: {  	v23 =	vld.idx.msk [tilespmem:v6+s6+$0x0], $0xffff  }
0x139: {  	v24 =	vld.idx.msk [tilespmem:v7+s6+$0x0], $0xffff  }
0x13a: {  	v25 =	vld.idx.msk [tilespmem:v8+s6+$0x0], $0xffff  }
0x13b: {  	vm0 =	vlt.s32 v2, $0x13880;
	vm1 =	vlt.s32 v1, $0x13880;
	vm15 =	vlt.s32 v3, $0x13880;
	v26 =	vld.idx.msk [tilespmem:v18+s6+$0x0], $0xffff  }
0x13c: {  	vm4 =	vlt.s32 v4, $0x13880;
	vm2 =	vlt.s32 v5, $0x13880;
	vm5 =	vlt.s32 v6, $0x13880;
	v27 =	vld.idx.msk [tilespmem:v10+s6+$0x0], $0xffff  }
0x13d: {  	vm6 =	vlt.s32 v7, $0x13880;
	vm7 =	vlt.s32 v8, $0x13880;
	vm8 =	vlt.s32 v18, $0x13880;
	v28 =	vld.idx.msk [tilespmem:v11+s6+$0x0], $0xffff  }
0x13e: {  	vm9 =	vlt.s32 v10, $0x13880;
	vm10 =	vlt.s32 v11, $0x13880;
	vm11 =	vlt.s32 v13, $0x13880;
	v1 =	vld.idx.msk [tilespmem:v13+s6+$0x0], $0xffff  }
0x13f: {  	vm12 =	vlt.s32 v14, $0x13880;
	vm13 =	vlt.s32 v15, $0x13880;
	vm14 =	vlt.s32 v16, $0x13880;
	v29 =	vld.idx.msk [tilespmem:v14+s6+$0x0], $0xffff  }
0x140: {  	v30 =	vsel vm2, $0x3F800000, v0;
	v55 =	vsel vm7, $0x3F800000, v0;
	v56 =	vsel vm9, $0x3F800000, v0;
	v4 =	vld.idx.msk [tilespmem:v15+s6+$0x0], $0xffff  }
0x141: {  	v58 =	vsel vm10, $0x3F800000, v0;
	v59 =	vsel vm11, $0x3F800000, v0;
	v3 =	vsel vm1, $0x3F800000, v0;
	v8 =	vld [tilespmem:s22+$0xFFFFFF90]  }
0x142: {  	v2 =	vsel vm0, $0x3F800000, v0;
	v18 =	vsel vm8, $0x3F800000, v0;
	v10 =	vld [tilespmem:s22+$0xFFFFFFA0];
	v3 =	vmul.f32 v3, v9  }
0x143: {  	v5 =	vsel vm15, $0x3F800000, v0;
	v31 =	vld.idx.msk [tilespmem:v16+s6+$0x0], $0xffff;
	v6 =	vsel vm5, $0x3F800000, v0;
	v18 =	vmul.f32 v18, v26  }
0x144: {  	v7 =	vsel vm6, $0x3F800000, v0;
	v13 =	vld [tilespmem:s22+$0xFFFFFFC0];
	v2 =	vmul.f32 v2, v19;
	v3 =	vadd.f32 v3, v12  }
0x145: {  	v14 =	vsel vm13, $0x3F800000, v0;
	v15 =	vld [tilespmem:s22+$0x0];
	v5 =	vmul.f32 v5, v20;
	v18 =	vadd.f32 v18, v54  }
0x146: {  	v9 =	vsel vm4, $0x3F800000, v0;
	v6 =	vmul.f32 v6, v23;
	v2 =	vadd.f32 v2, v8;
	[tilespmem:s22+$0x70] =	vst v3;
	v3 =	vld [tilespmem:s22+$0xFFFFFFE0]  }
0x147: {  	v11 =	vmul.f32 v30, v22;
	v7 =	vmul.f32 v7, v24;
	v5 =	vadd.f32 v5, v10;
	v10 =	vld [tilespmem:s22+$0xFFFFFFF0];
	[tilespmem:s22+$0xFFFFFF80] =	vst v18  }
0x148: {  	vm15 =	vlt.s32 v17, $0x13880;
	v9 =	vmul.f32 v9, v21;
	v12 =	vld.idx.msk [tilespmem:v17+s6+$0x0], $0xffff;
	v61 =	vadd.f32 v6, v60;
	[tilespmem:s22+$0xFFFFFF90] =	vst v2  }
0x149: {  	v62 =	vmul.f32 v56, v27;
	v63 =	vmul.f32 v58, v28;
	[tilespmem:s22+$0xFFFFFFA0] =	vst v5;
	v5 =	vadd.f32 v11, v13;
	v11 =	vld [tilespmem:s22+$0x10]  }
0x14a: {  	v8 =	vsel vm12, $0x3F800000, v0;
	v6 =	vld [tilespmem:s22+$0x20];
	v2 =	vadd.f32 v9, v57;
	v13 =	vmul.f32 v55, v25;
	[tilespmem:s22+$0xFFFFFFD0] =	vst v61  }
0x14b: {  	v9 =	vsel vm14, $0x3F800000, v0;
	[tilespmem:s22+$0xFFFFFFC0] =	vst v5;
	v5 =	vmul.f32 v59, v1;
	v3 =	vadd.f32 v7, v3;
	v7 =	vld [tilespmem:s22+$0x30]  }
0x14c: {  	[tilespmem:s22+$0xFFFFFFB0] =	vst v2;
	v2 =	vmul.f32 v8, v29;
	v8 =	vld [tilespmem:s22+$0x40];
	v10 =	vadd.f32 v13, v10;
	v13 =	vsel vm15, $0x3F800000, v0  }
0x14d: {  	v1 =	vmul.f32 v9, v31;
	v9 =	vld [tilespmem:s22+$0x50];
	[tilespmem:s22+$0xFFFFFFE0] =	vst v3;
	v3 =	vmul.f32 v13, v12;
	v12 =	vadd.f32 v62, v15  }
0x14e: {  	s24 =	simm.s32 $0x18880;
	s23 =	simm.s32 $0x0;
	v4 =	vmul.f32 v14, v4;
	[tilespmem:s22+$0xFFFFFFF0] =	vst v10;
	v11 =	vadd.f32 v63, v11;
	v10 =	vld [tilespmem:s22+$0x60]  }
.LBB2_9:
0x14f: {  	v13 =	vld [tilespmem:s24+$0x70];
	s23 =	sadd.s32 $0x100, s23;
	[tilespmem:s22+$0x0] =	vst v12;
	v5 =	vadd.f32 v5, v6  }
0x150: {  	v6 =	vld [tilespmem:s24+$0xFFFFFF90];
	p0 =	slt.u32 s23, $0x1F00;
	[tilespmem:s22+$0x10] =	vst v11;
	v2 =	vadd.f32 v2, v7  }
0x151: {  	v7 =	vld [tilespmem:s24+$0xFFFFFFA0];
	[tilespmem:s22+$0x20] =	vst v5;
	v4 =	vadd.f32 v4, v8  }
0x152: {  	v5 =	vld [tilespmem:s24+$0xFFFFFFB0];
	[tilespmem:s22+$0x30] =	vst v2;
	v1 =	vadd.f32 v1, v9  }
0x153: {  	v2 =	vld [tilespmem:s24+$0xFFFFFFC0];
	[tilespmem:s22+$0x40] =	vst v4;
	v3 =	vadd.f32 v3, v10  }
0x154: {  	v4 =	vld [tilespmem:s24+$0xFFFFFFD0];
	[tilespmem:s22+$0x50] =	vst v1  }
0x155: {  	vm0 =	vlt.s32 v6, $0x13880;
	v1 =	vld [tilespmem:s24+$0xFFFFFFE0];
	[tilespmem:s22+$0x60] =	vst v3  }
0x156: {  	v3 =	vsel vm0, $0x3F800000, v0;
	vm0 =	vlt.s32 v7, $0x13880;
	v8 =	vld [tilespmem:s24+$0xFFFFFFF0]  }
0x157: {  	v9 =	vsel vm0, $0x3F800000, v0;
	vm0 =	vlt.s32 v5, $0x13880;
	v10 =	vld.idx.msk [tilespmem:v13+s6+$0x0], $0xffff  }
0x158: {  	v11 =	vsel vm0, $0x3F800000, v0;
	vm0 =	vlt.s32 v2, $0x13880;
	v12 =	vld [tilespmem:s24+$0x0]  }
0x159: {  	s22 =	sadd.s32 $0x100, s22;
	v14 =	vsel vm0, $0x3F800000, v0;
	vm0 =	vlt.s32 v4, $0x13880;
	v15 =	vld [tilespmem:s24+$0x10]  }
0x15a: {  	v16 =	vsel vm0, $0x3F800000, v0;
	vm0 =	vlt.s32 v1, $0x13880;
	v17 =	vld [tilespmem:s22+$0x70]  }
0x15b: {  	vm1 =	vlt.s32 v13, $0x13880;
	v18 =	vsel vm0, $0x3F800000, v0;
	vm0 =	vlt.s32 v8, $0x13880;
	v19 =	vld [tilespmem:s24+$0x20]  }
0x15c: {  	v21 =	vsel vm1, $0x3F800000, v0;
	v13 =	vsel vm0, $0x3F800000, v0;
	v20 =	vld [tilespmem:s24+$0x30]  }
0x15d: {  	v10 =	vmul.f32 v21, v10;
	vm0 =	vlt.s32 v12, $0x13880;
	v22 =	vld [tilespmem:s24+$0x40]  }
0x15e: {  	v21 =	vsel vm0, $0x3F800000, v0;
	vm0 =	vlt.s32 v15, $0x13880;
	v23 =	vld [tilespmem:s24+$0x50]  }
0x15f: {  	v24 =	vsel vm0, $0x3F800000, v0;
	v25 =	vld [tilespmem:s24+$0x60];
	v10 =	vadd.f32 v10, v17  }
0x160: {  	v17 =	vld [tilespmem:s24+$0xFFFFFF80];
	vm0 =	vlt.s32 v19, $0x13880  }
0x161: {  	v6 =	vld.idx.msk [tilespmem:v6+s6+$0x0], $0xffff;
	v26 =	vsel vm0, $0x3F800000, v0;
	vm0 =	vlt.s32 v20, $0x13880;
	[tilespmem:s22+$0x70] =	vst v10  }
0x162: {  	v7 =	vld.idx.msk [tilespmem:v7+s6+$0x0], $0xffff;
	v10 =	vsel vm0, $0x3F800000, v0;
	vm0 =	vlt.s32 v22, $0x13880  }
0x163: {  	v5 =	vld.idx.msk [tilespmem:v5+s6+$0x0], $0xffff;
	v27 =	vsel vm0, $0x3F800000, v0;
	vm0 =	vlt.s32 v23, $0x13880  }
0x164: {  	v2 =	vld.idx.msk [tilespmem:v2+s6+$0x0], $0xffff;
	v28 =	vsel vm0, $0x3F800000, v0;
	vm0 =	vlt.s32 v25, $0x13880  }
0x165: {  	vm1 =	vlt.s32 v17, $0x13880;
	v4 =	vld.idx.msk [tilespmem:v4+s6+$0x0], $0xffff;
	v29 =	vsel vm0, $0x3F800000, v0  }
0x166: {  	v30 =	vsel vm1, $0x3F800000, v0;
	v1 =	vld.idx.msk [tilespmem:v1+s6+$0x0], $0xffff  }
0x167: {  	v6 =	vmul.f32 v3, v6;
	v3 =	vld.idx.msk [tilespmem:v8+s6+$0x0], $0xffff  }
0x168: {  	v7 =	vmul.f32 v9, v7;
	v8 =	vld.idx.msk [tilespmem:v17+s6+$0x0], $0xffff  }
0x169: {  	v9 =	vmul.f32 v11, v5;
	v5 =	vld.idx.msk [tilespmem:v12+s6+$0x0], $0xffff  }
0x16a: {  	v11 =	vmul.f32 v14, v2;
	v2 =	vld.idx.msk [tilespmem:v15+s6+$0x0], $0xffff  }
0x16b: {  	v12 =	vmul.f32 v16, v4;
	v4 =	vld.idx.msk [tilespmem:v19+s6+$0x0], $0xffff  }
0x16c: {  	v14 =	vmul.f32 v18, v1;
	v1 =	vld.idx.msk [tilespmem:v20+s6+$0x0], $0xffff  }
0x16d: {  	v13 =	vmul.f32 v13, v3;
	v3 =	vld.idx.msk [tilespmem:v22+s6+$0x0], $0xffff  }
0x16e: {  	v8 =	vmul.f32 v30, v8;
	v15 =	vld.idx.msk [tilespmem:v23+s6+$0x0], $0xffff  }
0x16f: {  	v16 =	vmul.f32 v21, v5;
	v17 =	vld.idx.msk [tilespmem:v25+s6+$0x0], $0xffff  }
0x170: {  	v19 =	vmul.f32 v24, v2;
	v18 =	vld [tilespmem:s22+$0xFFFFFF80]  }
0x171: {  	v5 =	vmul.f32 v26, v4;
	v20 =	vld [tilespmem:s22+$0xFFFFFF90]  }
0x172: {  	v2 =	vmul.f32 v10, v1;
	v21 =	vld [tilespmem:s22+$0xFFFFFFA0]  }
0x173: {  	v4 =	vmul.f32 v27, v3;
	v10 =	vld [tilespmem:s22+$0xFFFFFFB0]  }
0x174: {  	v1 =	vmul.f32 v28, v15;
	v22 =	vld [tilespmem:s22+$0xFFFFFFC0]  }
0x175: {  	v3 =	vmul.f32 v29, v17;
	v8 =	vadd.f32 v8, v18;
	v15 =	vld [tilespmem:s22+$0xFFFFFFD0]  }
0x176: {  	v6 =	vadd.f32 v6, v20;
	v17 =	vld [tilespmem:s22+$0xFFFFFFE0]  }
0x177: {  	[tilespmem:s22+$0xFFFFFF80] =	vst v8;
	v7 =	vadd.f32 v7, v21;
	v8 =	vld [tilespmem:s22+$0xFFFFFFF0]  }
0x178: {  	[tilespmem:s22+$0xFFFFFF90] =	vst v6;
	v6 =	vadd.f32 v9, v10;
	v9 =	vld [tilespmem:s22+$0x0]  }
0x179: {  	[tilespmem:s22+$0xFFFFFFA0] =	vst v7;
	v7 =	vadd.f32 v11, v22;
	v10 =	vld [tilespmem:s22+$0x10]  }
.Ltmp3:
0x17a: {  	[tilespmem:s22+$0xFFFFFFB0] =	vst v6;
	v11 =	vadd.f32 v12, v15;
	v6 =	vld [tilespmem:s22+$0x20];
	(pc) =	sbr.rel @p0 .LBB2_9-.Ltmp3, $4  }
0x17b: {  	[tilespmem:s22+$0xFFFFFFC0] =	vst v7;
	v12 =	vadd.f32 v14, v17;
	v7 =	vld [tilespmem:s22+$0x30]  }
0x17c: {  	[tilespmem:s22+$0xFFFFFFD0] =	vst v11;
	v11 =	vadd.f32 v13, v8;
	v8 =	vld [tilespmem:s22+$0x40]  }
0x17d: {  	[tilespmem:s22+$0xFFFFFFE0] =	vst v12;
	v12 =	vadd.f32 v16, v9;
	v9 =	vld [tilespmem:s22+$0x50]  }
0x17e: {  	s24 =	sadd.s32 $0x100, s24;
	[tilespmem:s22+$0xFFFFFFF0] =	vst v11;
	v11 =	vadd.f32 v19, v10;
	v10 =	vld [tilespmem:s22+$0x60]  }
0x17f: {  	[tilespmem:s22+$0x0] =	vst v12;
	v5 =	vadd.f32 v5, v6  }
0x180: {  	s19 =	sadd.s32 $0x1, s19;
	[tilespmem:s22+$0x10] =	vst v11;
	v2 =	vadd.f32 v2, v7  }
0x181: {  	s21 =	sshll.u32 s21, $0x11;
	p0 =	sne.s32 s19, $0x10;
	[tilespmem:s22+$0x20] =	vst v5;
	v4 =	vadd.f32 v4, v8  }
.Ltmp4:
0x182: {  	s21 =	sadd.s32 s10, s21;
	[tilespmem:s22+$0x30] =	vst v2;
	v1 =	vadd.f32 v1, v9;
	(pc) =	sbr.rel @p0 .LBB2_2-.Ltmp4, $4  }
0x183: {  	s20 =	sor.u32 s20, s21;
	[tilespmem:s22+$0x40] =	vst v4;
	v2 =	vadd.f32 v3, v10  }
0x184: {  	s20 =	sshrl.u32 s20, $0x3;
	[tilespmem:s22+$0x50] =	vst v1  }
0x185: {  	s20 =	sadd.s32 s4, s20;
	[tilespmem:s22+$0x60] =	vst v2  }
0x186: {  	[hbm4b:s20+s14] =	stream.strided.scatter [tilespmem:s16], [sflag:$0x1], $0x4000, s15, s14, $0x38;
	[tilespmem:$0x1E700] =	vst v63  }
0x187: {  	s18 =	sadd.s32 $0x1, s18  }
0x188: {  	p0 =	sne.s32 s18, s11  }
.Ltmp5:
0x189: {  	_ = 	snop;
	(pc) =	sbr.rel @p0 .LBB2_1-.Ltmp5, $4  }
0x18a: {  	_ = 	snop  }
0x18b: {  	_ =	swait.ge [sflag:s17], $0x4000  }
0x18c: {  	[sflag:s17] =	ssyncset.done $0x0  }
0x18d: {  	[sflag:s17] =	ssyncadd.s32 $0xFFFFC000  }
0x18e: {  	_ =	sfence.sel $0x180000  }
0x18f: {  	[bflag:$0x0] =	sbarrier.arrive $0xFFFF  }
0x190: {  	p0 =	sne.s32 s5, $0x0;
	_ =	strace $0x90000047  }
0x191: {  	s0 =	sadd.s32 @!p0 $0x100000, s0;
	[bflag:$0x2] =	sbarrier.arrive $0xFFFF  }
0x192: {  	[sflag:s0] =	ssyncadd.tile.s32 @!p0 $0x1;
	_ =	shalt  }
.Lfunc_end2:
_tile_overlayer_lowered:
.L_overlay_start_2:
0x193: {  	(tag) =	ssettag $0x2  }
0x194: {  	s0 =	rddreg [dreg:$0x0];
	s2 =	stileid.u32  }
0x195: {  	s1 =	rddreg [dreg:$0x1];
	p0 =	sne.s32 s2, $0x0  }
0x196: {  	s3 =	rddreg [dreg:$0x2];
	[bflag:$0x3] =	sbarrier.arrive $0xFFFF;
	s2 =	simm.s32 @!p0 $0x1C02  }
0x197: {  	[timem:s3], [sflag:s2] =	dma.local @!p0 [hbm:s0], s1  }
0x198: {  	s0 =	simm.s32 @!p0 $0x2  }
0x199: {  	_ =	swait.ge @!p0 [sflag:s0], s1  }
0x19a: {  	s1 =	ssub.s32 @!p0 $0x0, s1;
	[sflag:s0] =	ssyncset.done @!p0 $0x0  }
0x19b: {  	[sflag:s0] =	ssyncadd.s32 @!p0 s1  }
0x19c: {  	[bflag:$0x3] =	sbarrier.arrive $0xFFFF  }
0x19d: {  	_ =	shalt  }

</sc_bundles>
